<compile_context>
chip_gen: v7x
topology: tpu7x:2x2x1
jax: 0.10.2.dev20260603
libtpu: 0.0.44.dev20260713+nightly
codegen_flags: <defaults>
</compile_context>

<pallas_src>
import functools

import jax
import jax.numpy as jnp
from jax import lax
from jax.experimental import pallas as pl
from jax.experimental.pallas import tpu as pltpu
from jax.experimental.pallas import tpu_sc as plsc

N_LAYERS = 4
K = 1024
DIM = 64
HALF = 256
NSUB = 8
TILE = NSUB * HALF
NCHUNK = 1

_NC = 2
_NS = 16
_NW = _NC * _NS


def _tc_layer(resid, cb, cb_norm):
    x_norm = jnp.sum(resid * resid, axis=1, keepdims=True)
    mm2 = jax.lax.dot_general(
        -2.0 * resid, cb, (((1,), (1,)), ((), ())),
        preferred_element_type=jnp.float32,
    )
    d = (x_norm + cb_norm) + mm2
    d_min = jnp.min(d, axis=1, keepdims=True)
    iota = jax.lax.broadcasted_iota(jnp.int32, d.shape, 1)
    return jnp.min(jnp.where(d == d_min, iota, K), axis=1, keepdims=True)


def _tc_body_first(x_ref, cb_ref, cbn_ref, out_ref):
    cb, cbn = cb_ref[...], cbn_ref[...]
    for s in range(NSUB):
        sl = pl.ds(s * HALF, HALF)
        out_ref[sl, :] = _tc_layer(x_ref[sl, :], cb, cbn)


def _tc_body(x_ref, delta_ref, cb_ref, cbn_ref, out_ref, resid_ref):
    cb, cbn = cb_ref[...], cbn_ref[...]
    for s in range(NSUB):
        sl = pl.ds(s * HALF, HALF)
        resid = x_ref[sl, :] - delta_ref[sl, 0:DIM]
        resid_ref[sl, :] = resid
        out_ref[sl, :] = _tc_layer(resid, cb, cbn)


def _tc_codes(resid, delta, cb, cb_norm, want_resid):
    n = resid.shape[0]
    full = lambda s: pl.BlockSpec(s, lambda i: (0,) * len(s))
    row = lambda w: pl.BlockSpec((TILE, w), lambda i: (i, 0))
    if delta is None:
        return pl.pallas_call(
            _tc_body_first,
            grid=(n // TILE,),
            in_specs=[row(DIM), full((K, DIM)), full((1, K))],
            out_specs=row(1),
            out_shape=jax.ShapeDtypeStruct((n, 1), jnp.int32),
        )(resid, cb, cb_norm)
    codes, new_resid = pl.pallas_call(
        _tc_body,
        grid=(n // TILE,),
        in_specs=[row(DIM), row(2 * DIM), full((K, DIM)), full((1, K))],
        out_specs=(row(1), row(DIM)),
        out_shape=(jax.ShapeDtypeStruct((n, 1), jnp.int32),
                   jax.ShapeDtypeStruct((n, DIM), jnp.float32)),
    )(resid, delta, cb, cb_norm)
    return (codes, new_resid) if want_resid else (codes, None)


def _sc_gather(cb_pad, codes):
    n = codes.shape[0]
    b_per_w = n // _NW
    batch = min(b_per_w, 512)
    nbatch = b_per_w // batch
    mesh = plsc.VectorSubcoreMesh(core_axis_name="c", subcore_axis_name="s")

    @functools.partial(
        pl.kernel, mesh=mesh,
        out_type=jax.ShapeDtypeStruct((n, 2 * DIM), jnp.float32),
        scratch_types=[
            pltpu.VMEM((batch,), jnp.int32),
            pltpu.VMEM((batch, 2 * DIM), jnp.float32),
            pltpu.SemaphoreType.DMA,
        ],
    )
    def body(cb_hbm, idx_hbm, out_hbm, idx_v, rows_v, sem):
        wid = lax.axis_index("s") * _NC + lax.axis_index("c")
        for t in range(nbatch):
            base = wid * b_per_w + t * batch
            pltpu.sync_copy(idx_hbm.at[pl.ds(base, batch)], idx_v)
            pltpu.async_copy(cb_hbm.at[idx_v], rows_v, sem).wait()
            pltpu.sync_copy(rows_v, out_hbm.at[pl.ds(base, batch)])

    return body(cb_pad, codes)


@jax.jit
def kernel(x, centroids):
    n = x.shape[0]
    cb_norm = jnp.sum(centroids * centroids, axis=2)
    cb_padded = jnp.pad(centroids, ((0, 0), (0, 0), (0, DIM)))
    ch = n // NCHUNK
    resids = [x[c * ch:(c + 1) * ch] for c in range(NCHUNK)]
    deltas = [None] * NCHUNK
    codes = [[] for _ in range(NCHUNK)]
    for l in range(N_LAYERS):
        cb = centroids[l]
        cbn = cb_norm[l][None, :]
        for c in range(NCHUNK):
            if l == 0:
                code = _tc_codes(resids[c], None, cb, cbn, False)
            else:
                code, r = _tc_codes(resids[c], deltas[c], cb, cbn,
                                    l + 1 < N_LAYERS)
                if r is not None:
                    resids[c] = r
            codes[c].append(code)
            if l + 1 < N_LAYERS:
                deltas[c] = _sc_gather(cb_padded[l], code[:, 0])
    return jnp.concatenate(
        [jnp.concatenate(codes[c], axis=1) for c in range(NCHUNK)], axis=0)

# --- scband reference (transcript-rebuilt; emitter-appended) ---
"""Pipeline reference for scband-res-kmeans-85341000172239 (READ-ONLY COPY).

The authoritative reference and input builder live on the scoring server;
editing this copy changes nothing except your own understanding.
"""

import jax, jax.numpy as jnp
import numpy as np

N_LAYERS = 4
K = 1024
DIM = 64
N = 65536


def setup_inputs(seed: int = 0) -> dict:
    key = jax.random.key(seed)
    kx, kc = jax.random.split(key)
    x = jax.random.normal(kx, (N, DIM), dtype=jnp.float32)
    # trained residual-kmeans centroids (would come from .train()); random stand-in
    centroids = jax.random.normal(kc, (N_LAYERS, K, DIM), dtype=jnp.float32) * 0.5
    return {"x": x, "centroids": centroids}


def reference(x, centroids):
    # Faithful port of ResKmeans.encode with n_layers=None (all layers).
    # distances = ||x||^2 + ||c||^2 - 2 x c^T  (torch.addmm with alpha=-2.0)
    resid = x
    codes = []
    for l in range(centroids.shape[0]):
        cb = centroids[l]
        x_norm_sq = jnp.sum(resid * resid, axis=1, keepdims=True)
        cb_norm_sq = jnp.sum(cb * cb, axis=1)[None, :]
        distances = x_norm_sq + cb_norm_sq - 2.0 * (resid @ cb.T)
        code = jnp.argmin(distances, axis=-1)
        resid = resid - jnp.take(cb, code, axis=0)
        codes.append(code)
    return jnp.stack(codes, axis=1)

if __name__ == "__main__":
    import jax
    _d = setup_inputs()
    print(jax.jit(kernel)(*tuple(_d.values())))

</pallas_src>

<mosaic_0001>
#map = affine_map<(d0, d1) -> (0, 0)>
#map1 = affine_map<(d0, d1) -> (0)>
module attributes {stable_mosaic.version = 14 : i64} {
  func.func @body(%arg0: i32, %arg1: i32, %arg2: memref<1024x128xf32, #tpu.memory_space<hbm>>, %arg3: memref<65536xi32, #tpu.memory_space<hbm>>, %arg4: memref<65536x128xf32, #tpu.memory_space<hbm>>, %arg5: memref<512xi32, #tpu.memory_space<vmem>>, %arg6: memref<512x128xf32, #tpu.memory_space<vmem>>, %arg7: memref<!tpu.dma_semaphore, #tpu.memory_space<semaphore_mem>>) attributes {dimension_semantics = [#tpu.dimension_semantics<core_parallel>, #tpu.dimension_semantics<subcore_parallel>], iteration_bounds = array<i64: 2, 16>, scalar_prefetch = 0 : i64, scratch_operands = 3 : i64, tpu.core_type = #tpu.core_type<sc_vector_subcore>, window_params = [{transform_indices = #map}, {transform_indices = #map1}, {transform_indices = #map}]} {
    %mul3A = arith.constant 2 : i32
    %mul3A_0 = arith.muli %arg1, %mul3A : i32
    %add3A = arith.addi %mul3A_0, %arg0 : i32
    %mul3A_1 = arith.constant 2048 : i32
    %mul3A_2 = arith.muli %add3A, %mul3A_1 : i32
    %add3A_3 = arith.constant 0 : i32
    %add3A_4 = arith.addi %mul3A_2, %add3A_3 : i32
    "tpu.region"() ({
      %run_scoped3A = tpu.sem_alloc : memref<!tpu.dma_semaphore, #tpu.memory_space<semaphore_mem>>
      %dma_start3A_39 = tpu.memref_slice %arg3[%add3A_4] : memref<65536xi32, #tpu.memory_space<hbm>> -> memref<512xi32, #tpu.memory_space<hbm>>
      %dma_start3A_40 = tpu.memref_slice %arg3[%add3A_4] : memref<65536xi32, #tpu.memory_space<hbm>> -> memref<512xi32, #tpu.memory_space<hbm>>
      tpu.enqueue_dma source(%dma_start3A_40 : memref<512xi32, #tpu.memory_space<hbm>>) target(%arg5 : memref<512xi32, #tpu.memory_space<vmem>>) target_semaphore(%run_scoped3A : memref<!tpu.dma_semaphore, #tpu.memory_space<semaphore_mem>>)
      %dma_wait3A_41 = tpu.memref_slice %arg3[%add3A_4] : memref<65536xi32, #tpu.memory_space<hbm>> -> memref<512xi32, #tpu.memory_space<hbm>>
      %dma_wait3A_42 = tpu.memref_slice %arg3[%add3A_4] : memref<65536xi32, #tpu.memory_space<hbm>> -> memref<512xi32, #tpu.memory_space<hbm>>
      tpu.wait_dma2 semaphore(%run_scoped3A : memref<!tpu.dma_semaphore, #tpu.memory_space<semaphore_mem>>) src(%dma_wait3A_42 : memref<512xi32, #tpu.memory_space<hbm>>) dst(%arg5 : memref<512xi32, #tpu.memory_space<vmem>>)
      tpu.yield
    }) : () -> ()
    %dma_start3A = arith.constant 0 : i32
    %dma_start3A_5 = arith.constant 0 : i32
    %dma_start3A_6 = tpu.memref_slice %arg2[%dma_start3A, %dma_start3A_5] : memref<1024x128xf32, #tpu.memory_space<hbm>> -> memref<1024x128xf32, #tpu.memory_space<hbm>>
    tpu.enqueue_indirect_dma source(%dma_start3A_6 : memref<1024x128xf32, #tpu.memory_space<hbm>>) target(%arg6 : memref<512x128xf32, #tpu.memory_space<vmem>>) offsets(%arg5 : memref<512xi32, #tpu.memory_space<vmem>>) semaphore(%arg7 : memref<!tpu.dma_semaphore, #tpu.memory_space<semaphore_mem>>)
    %dma_wait3A = arith.constant 0 : i32
    %dma_wait3A_7 = arith.constant 0 : i32
    %dma_wait3A_8 = tpu.memref_slice %arg2[%dma_wait3A, %dma_wait3A_7] : memref<1024x128xf32, #tpu.memory_space<hbm>> -> memref<1024x128xf32, #tpu.memory_space<hbm>>
    tpu.wait_indirect_dma semaphore(%arg7 : memref<!tpu.dma_semaphore, #tpu.memory_space<semaphore_mem>>) src(%dma_wait3A_8 : memref<1024x128xf32, #tpu.memory_space<hbm>>) dst(%arg6 : memref<512x128xf32, #tpu.memory_space<vmem>>)
    "tpu.region"() ({
      %run_scoped3A = tpu.sem_alloc : memref<!tpu.dma_semaphore, #tpu.memory_space<semaphore_mem>>
      %dma_start3A_39 = arith.constant 0 : i32
      %dma_start3A_40 = tpu.memref_slice %arg4[%add3A_4, %dma_start3A_39] : memref<65536x128xf32, #tpu.memory_space<hbm>> -> memref<512x128xf32, #tpu.memory_space<hbm>>
      %dma_start3A_41 = arith.constant 0 : i32
      %dma_start3A_42 = tpu.memref_slice %arg4[%add3A_4, %dma_start3A_41] : memref<65536x128xf32, #tpu.memory_space<hbm>> -> memref<512x128xf32, #tpu.memory_space<hbm>>
      tpu.enqueue_dma source(%arg6 : memref<512x128xf32, #tpu.memory_space<vmem>>) target(%dma_start3A_42 : memref<512x128xf32, #tpu.memory_space<hbm>>) target_semaphore(%run_scoped3A : memref<!tpu.dma_semaphore, #tpu.memory_space<semaphore_mem>>)
      %dma_wait3A_43 = arith.constant 0 : i32
      %dma_wait3A_44 = tpu.memref_slice %arg4[%add3A_4, %dma_wait3A_43] : memref<65536x128xf32, #tpu.memory_space<hbm>> -> memref<512x128xf32, #tpu.memory_space<hbm>>
      %dma_wait3A_45 = arith.constant 0 : i32
      %dma_wait3A_46 = tpu.memref_slice %arg4[%add3A_4, %dma_wait3A_45] : memref<65536x128xf32, #tpu.memory_space<hbm>> -> memref<512x128xf32, #tpu.memory_space<hbm>>
      tpu.wait_dma2 semaphore(%run_scoped3A : memref<!tpu.dma_semaphore, #tpu.memory_space<semaphore_mem>>) src(%arg6 : memref<512x128xf32, #tpu.memory_space<vmem>>) dst(%dma_wait3A_46 : memref<512x128xf32, #tpu.memory_space<hbm>>)
      tpu.yield
    }) : () -> ()
    %mul3A_9 = arith.constant 2048 : i32
    %mul3A_10 = arith.muli %add3A, %mul3A_9 : i32
    %add3A_11 = arith.constant 512 : i32
    %add3A_12 = arith.addi %mul3A_10, %add3A_11 : i32
    "tpu.region"() ({
      %run_scoped3A = tpu.sem_alloc : memref<!tpu.dma_semaphore, #tpu.memory_space<semaphore_mem>>
      %dma_start3A_39 = tpu.memref_slice %arg3[%add3A_12] : memref<65536xi32, #tpu.memory_space<hbm>> -> memref<512xi32, #tpu.memory_space<hbm>>
      %dma_start3A_40 = tpu.memref_slice %arg3[%add3A_12] : memref<65536xi32, #tpu.memory_space<hbm>> -> memref<512xi32, #tpu.memory_space<hbm>>
      tpu.enqueue_dma source(%dma_start3A_40 : memref<512xi32, #tpu.memory_space<hbm>>) target(%arg5 : memref<512xi32, #tpu.memory_space<vmem>>) target_semaphore(%run_scoped3A : memref<!tpu.dma_semaphore, #tpu.memory_space<semaphore_mem>>)
      %dma_wait3A_41 = tpu.memref_slice %arg3[%add3A_12] : memref<65536xi32, #tpu.memory_space<hbm>> -> memref<512xi32, #tpu.memory_space<hbm>>
      %dma_wait3A_42 = tpu.memref_slice %arg3[%add3A_12] : memref<65536xi32, #tpu.memory_space<hbm>> -> memref<512xi32, #tpu.memory_space<hbm>>
      tpu.wait_dma2 semaphore(%run_scoped3A : memref<!tpu.dma_semaphore, #tpu.memory_space<semaphore_mem>>) src(%dma_wait3A_42 : memref<512xi32, #tpu.memory_space<hbm>>) dst(%arg5 : memref<512xi32, #tpu.memory_space<vmem>>)
      tpu.yield
    }) : () -> ()
    %dma_start3A_13 = arith.constant 0 : i32
    %dma_start3A_14 = arith.constant 0 : i32
    %dma_start3A_15 = tpu.memref_slice %arg2[%dma_start3A_13, %dma_start3A_14] : memref<1024x128xf32, #tpu.memory_space<hbm>> -> memref<1024x128xf32, #tpu.memory_space<hbm>>
    tpu.enqueue_indirect_dma source(%dma_start3A_15 : memref<1024x128xf32, #tpu.memory_space<hbm>>) target(%arg6 : memref<512x128xf32, #tpu.memory_space<vmem>>) offsets(%arg5 : memref<512xi32, #tpu.memory_space<vmem>>) semaphore(%arg7 : memref<!tpu.dma_semaphore, #tpu.memory_space<semaphore_mem>>)
    %dma_wait3A_16 = arith.constant 0 : i32
    %dma_wait3A_17 = arith.constant 0 : i32
    %dma_wait3A_18 = tpu.memref_slice %arg2[%dma_wait3A_16, %dma_wait3A_17] : memref<1024x128xf32, #tpu.memory_space<hbm>> -> memref<1024x128xf32, #tpu.memory_space<hbm>>
    tpu.wait_indirect_dma semaphore(%arg7 : memref<!tpu.dma_semaphore, #tpu.memory_space<semaphore_mem>>) src(%dma_wait3A_18 : memref<1024x128xf32, #tpu.memory_space<hbm>>) dst(%arg6 : memref<512x128xf32, #tpu.memory_space<vmem>>)
    "tpu.region"() ({
      %run_scoped3A = tpu.sem_alloc : memref<!tpu.dma_semaphore, #tpu.memory_space<semaphore_mem>>
      %dma_start3A_39 = arith.constant 0 : i32
      %dma_start3A_40 = tpu.memref_slice %arg4[%add3A_12, %dma_start3A_39] : memref<65536x128xf32, #tpu.memory_space<hbm>> -> memref<512x128xf32, #tpu.memory_space<hbm>>
      %dma_start3A_41 = arith.constant 0 : i32
      %dma_start3A_42 = tpu.memref_slice %arg4[%add3A_12, %dma_start3A_41] : memref<65536x128xf32, #tpu.memory_space<hbm>> -> memref<512x128xf32, #tpu.memory_space<hbm>>
      tpu.enqueue_dma source(%arg6 : memref<512x128xf32, #tpu.memory_space<vmem>>) target(%dma_start3A_42 : memref<512x128xf32, #tpu.memory_space<hbm>>) target_semaphore(%run_scoped3A : memref<!tpu.dma_semaphore, #tpu.memory_space<semaphore_mem>>)
      %dma_wait3A_43 = arith.constant 0 : i32
      %dma_wait3A_44 = tpu.memref_slice %arg4[%add3A_12, %dma_wait3A_43] : memref<65536x128xf32, #tpu.memory_space<hbm>> -> memref<512x128xf32, #tpu.memory_space<hbm>>
      %dma_wait3A_45 = arith.constant 0 : i32
      %dma_wait3A_46 = tpu.memref_slice %arg4[%add3A_12, %dma_wait3A_45] : memref<65536x128xf32, #tpu.memory_space<hbm>> -> memref<512x128xf32, #tpu.memory_space<hbm>>
      tpu.wait_dma2 semaphore(%run_scoped3A : memref<!tpu.dma_semaphore, #tpu.memory_space<semaphore_mem>>) src(%arg6 : memref<512x128xf32, #tpu.memory_space<vmem>>) dst(%dma_wait3A_46 : memref<512x128xf32, #tpu.memory_space<hbm>>)
      tpu.yield
    }) : () -> ()
    %mul3A_19 = arith.constant 2048 : i32
    %mul3A_20 = arith.muli %add3A, %mul3A_19 : i32
    %add3A_21 = arith.constant 1024 : i32
    %add3A_22 = arith.addi %mul3A_20, %add3A_21 : i32
    "tpu.region"() ({
      %run_scoped3A = tpu.sem_alloc : memref<!tpu.dma_semaphore, #tpu.memory_space<semaphore_mem>>
      %dma_start3A_39 = tpu.memref_slice %arg3[%add3A_22] : memref<65536xi32, #tpu.memory_space<hbm>> -> memref<512xi32, #tpu.memory_space<hbm>>
      %dma_start3A_40 = tpu.memref_slice %arg3[%add3A_22] : memref<65536xi32, #tpu.memory_space<hbm>> -> memref<512xi32, #tpu.memory_space<hbm>>
      tpu.enqueue_dma source(%dma_start3A_40 : memref<512xi32, #tpu.memory_space<hbm>>) target(%arg5 : memref<512xi32, #tpu.memory_space<vmem>>) target_semaphore(%run_scoped3A : memref<!tpu.dma_semaphore, #tpu.memory_space<semaphore_mem>>)
      %dma_wait3A_41 = tpu.memref_slice %arg3[%add3A_22] : memref<65536xi32, #tpu.memory_space<hbm>> -> memref<512xi32, #tpu.memory_space<hbm>>
      %dma_wait3A_42 = tpu.memref_slice %arg3[%add3A_22] : memref<65536xi32, #tpu.memory_space<hbm>> -> memref<512xi32, #tpu.memory_space<hbm>>
      tpu.wait_dma2 semaphore(%run_scoped3A : memref<!tpu.dma_semaphore, #tpu.memory_space<semaphore_mem>>) src(%dma_wait3A_42 : memref<512xi32, #tpu.memory_space<hbm>>) dst(%arg5 : memref<512xi32, #tpu.memory_space<vmem>>)
      tpu.yield
    }) : () -> ()
    %dma_start3A_23 = arith.constant 0 : i32
    %dma_start3A_24 = arith.constant 0 : i32
    %dma_start3A_25 = tpu.memref_slice %arg2[%dma_start3A_23, %dma_start3A_24] : memref<1024x128xf32, #tpu.memory_space<hbm>> -> memref<1024x128xf32, #tpu.memory_space<hbm>>
    tpu.enqueue_indirect_dma source(%dma_start3A_25 : memref<1024x128xf32, #tpu.memory_space<hbm>>) target(%arg6 : memref<512x128xf32, #tpu.memory_space<vmem>>) offsets(%arg5 : memref<512xi32, #tpu.memory_space<vmem>>) semaphore(%arg7 : memref<!tpu.dma_semaphore, #tpu.memory_space<semaphore_mem>>)
    %dma_wait3A_26 = arith.constant 0 : i32
    %dma_wait3A_27 = arith.constant 0 : i32
    %dma_wait3A_28 = tpu.memref_slice %arg2[%dma_wait3A_26, %dma_wait3A_27] : memref<1024x128xf32, #tpu.memory_space<hbm>> -> memref<1024x128xf32, #tpu.memory_space<hbm>>
    tpu.wait_indirect_dma semaphore(%arg7 : memref<!tpu.dma_semaphore, #tpu.memory_space<semaphore_mem>>) src(%dma_wait3A_28 : memref<1024x128xf32, #tpu.memory_space<hbm>>) dst(%arg6 : memref<512x128xf32, #tpu.memory_space<vmem>>)
    "tpu.region"() ({
      %run_scoped3A = tpu.sem_alloc : memref<!tpu.dma_semaphore, #tpu.memory_space<semaphore_mem>>
      %dma_start3A_39 = arith.constant 0 : i32
      %dma_start3A_40 = tpu.memref_slice %arg4[%add3A_22, %dma_start3A_39] : memref<65536x128xf32, #tpu.memory_space<hbm>> -> memref<512x128xf32, #tpu.memory_space<hbm>>
      %dma_start3A_41 = arith.constant 0 : i32
      %dma_start3A_42 = tpu.memref_slice %arg4[%add3A_22, %dma_start3A_41] : memref<65536x128xf32, #tpu.memory_space<hbm>> -> memref<512x128xf32, #tpu.memory_space<hbm>>
      tpu.enqueue_dma source(%arg6 : memref<512x128xf32, #tpu.memory_space<vmem>>) target(%dma_start3A_42 : memref<512x128xf32, #tpu.memory_space<hbm>>) target_semaphore(%run_scoped3A : memref<!tpu.dma_semaphore, #tpu.memory_space<semaphore_mem>>)
      %dma_wait3A_43 = arith.constant 0 : i32
      %dma_wait3A_44 = tpu.memref_slice %arg4[%add3A_22, %dma_wait3A_43] : memref<65536x128xf32, #tpu.memory_space<hbm>> -> memref<512x128xf32, #tpu.memory_space<hbm>>
      %dma_wait3A_45 = arith.constant 0 : i32
      %dma_wait3A_46 = tpu.memref_slice %arg4[%add3A_22, %dma_wait3A_45] : memref<65536x128xf32, #tpu.memory_space<hbm>> -> memref<512x128xf32, #tpu.memory_space<hbm>>
      tpu.wait_dma2 semaphore(%run_scoped3A : memref<!tpu.dma_semaphore, #tpu.memory_space<semaphore_mem>>) src(%arg6 : memref<512x128xf32, #tpu.memory_space<vmem>>) dst(%dma_wait3A_46 : memref<512x128xf32, #tpu.memory_space<hbm>>)
      tpu.yield
    }) : () -> ()
    %mul3A_29 = arith.constant 2048 : i32
    %mul3A_30 = arith.muli %add3A, %mul3A_29 : i32
    %add3A_31 = arith.constant 1536 : i32
    %add3A_32 = arith.addi %mul3A_30, %add3A_31 : i32
    "tpu.region"() ({
      %run_scoped3A = tpu.sem_alloc : memref<!tpu.dma_semaphore, #tpu.memory_space<semaphore_mem>>
      %dma_start3A_39 = tpu.memref_slice %arg3[%add3A_32] : memref<65536xi32, #tpu.memory_space<hbm>> -> memref<512xi32, #tpu.memory_space<hbm>>
      %dma_start3A_40 = tpu.memref_slice %arg3[%add3A_32] : memref<65536xi32, #tpu.memory_space<hbm>> -> memref<512xi32, #tpu.memory_space<hbm>>
      tpu.enqueue_dma source(%dma_start3A_40 : memref<512xi32, #tpu.memory_space<hbm>>) target(%arg5 : memref<512xi32, #tpu.memory_space<vmem>>) target_semaphore(%run_scoped3A : memref<!tpu.dma_semaphore, #tpu.memory_space<semaphore_mem>>)
      %dma_wait3A_41 = tpu.memref_slice %arg3[%add3A_32] : memref<65536xi32, #tpu.memory_space<hbm>> -> memref<512xi32, #tpu.memory_space<hbm>>
      %dma_wait3A_42 = tpu.memref_slice %arg3[%add3A_32] : memref<65536xi32, #tpu.memory_space<hbm>> -> memref<512xi32, #tpu.memory_space<hbm>>
      tpu.wait_dma2 semaphore(%run_scoped3A : memref<!tpu.dma_semaphore, #tpu.memory_space<semaphore_mem>>) src(%dma_wait3A_42 : memref<512xi32, #tpu.memory_space<hbm>>) dst(%arg5 : memref<512xi32, #tpu.memory_space<vmem>>)
      tpu.yield
    }) : () -> ()
    %dma_start3A_33 = arith.constant 0 : i32
    %dma_start3A_34 = arith.constant 0 : i32
    %dma_start3A_35 = tpu.memref_slice %arg2[%dma_start3A_33, %dma_start3A_34] : memref<1024x128xf32, #tpu.memory_space<hbm>> -> memref<1024x128xf32, #tpu.memory_space<hbm>>
    tpu.enqueue_indirect_dma source(%dma_start3A_35 : memref<1024x128xf32, #tpu.memory_space<hbm>>) target(%arg6 : memref<512x128xf32, #tpu.memory_space<vmem>>) offsets(%arg5 : memref<512xi32, #tpu.memory_space<vmem>>) semaphore(%arg7 : memref<!tpu.dma_semaphore, #tpu.memory_space<semaphore_mem>>)
    %dma_wait3A_36 = arith.constant 0 : i32
    %dma_wait3A_37 = arith.constant 0 : i32
    %dma_wait3A_38 = tpu.memref_slice %arg2[%dma_wait3A_36, %dma_wait3A_37] : memref<1024x128xf32, #tpu.memory_space<hbm>> -> memref<1024x128xf32, #tpu.memory_space<hbm>>
    tpu.wait_indirect_dma semaphore(%arg7 : memref<!tpu.dma_semaphore, #tpu.memory_space<semaphore_mem>>) src(%dma_wait3A_38 : memref<1024x128xf32, #tpu.memory_space<hbm>>) dst(%arg6 : memref<512x128xf32, #tpu.memory_space<vmem>>)
    "tpu.region"() ({
      %run_scoped3A = tpu.sem_alloc : memref<!tpu.dma_semaphore, #tpu.memory_space<semaphore_mem>>
      %dma_start3A_39 = arith.constant 0 : i32
      %dma_start3A_40 = tpu.memref_slice %arg4[%add3A_32, %dma_start3A_39] : memref<65536x128xf32, #tpu.memory_space<hbm>> -> memref<512x128xf32, #tpu.memory_space<hbm>>
      %dma_start3A_41 = arith.constant 0 : i32
      %dma_start3A_42 = tpu.memref_slice %arg4[%add3A_32, %dma_start3A_41] : memref<65536x128xf32, #tpu.memory_space<hbm>> -> memref<512x128xf32, #tpu.memory_space<hbm>>
      tpu.enqueue_dma source(%arg6 : memref<512x128xf32, #tpu.memory_space<vmem>>) target(%dma_start3A_42 : memref<512x128xf32, #tpu.memory_space<hbm>>) target_semaphore(%run_scoped3A : memref<!tpu.dma_semaphore, #tpu.memory_space<semaphore_mem>>)
      %dma_wait3A_43 = arith.constant 0 : i32
      %dma_wait3A_44 = tpu.memref_slice %arg4[%add3A_32, %dma_wait3A_43] : memref<65536x128xf32, #tpu.memory_space<hbm>> -> memref<512x128xf32, #tpu.memory_space<hbm>>
      %dma_wait3A_45 = arith.constant 0 : i32
      %dma_wait3A_46 = tpu.memref_slice %arg4[%add3A_32, %dma_wait3A_45] : memref<65536x128xf32, #tpu.memory_space<hbm>> -> memref<512x128xf32, #tpu.memory_space<hbm>>
      tpu.wait_dma2 semaphore(%run_scoped3A : memref<!tpu.dma_semaphore, #tpu.memory_space<semaphore_mem>>) src(%arg6 : memref<512x128xf32, #tpu.memory_space<vmem>>) dst(%dma_wait3A_46 : memref<512x128xf32, #tpu.memory_space<hbm>>)
      tpu.yield
    }) : () -> ()
    return
  }
}

#map = affine_map<(d0, d1) -> (0, 0)>
#map1 = affine_map<(d0, d1) -> (0)>
module attributes {stable_mosaic.version = 14 : i64} {
  func.func @body(%arg0: i32, %arg1: i32, %arg2: memref<1024x128xf32, #tpu.memory_space<hbm>>, %arg3: memref<65536xi32, #tpu.memory_space<hbm>>, %arg4: memref<65536x128xf32, #tpu.memory_space<hbm>>, %arg5: memref<512xi32, #tpu.memory_space<vmem>>, %arg6: memref<512x128xf32, #tpu.memory_space<vmem>>, %arg7: memref<!tpu.dma_semaphore, #tpu.memory_space<semaphore_mem>>) attributes {dimension_semantics = [#tpu.dimension_semantics<core_parallel>, #tpu.dimension_semantics<subcore_parallel>], iteration_bounds = array<i64: 2, 16>, scalar_prefetch = 0 : i64, scratch_operands = 3 : i64, tpu.core_type = #tpu.core_type<sc_vector_subcore>, window_params = [{transform_indices = #map}, {transform_indices = #map1}, {transform_indices = #map}]} {
    %mul3A = arith.constant 2 : i32
    %mul3A_0 = arith.muli %arg1, %mul3A : i32
    %add3A = arith.addi %mul3A_0, %arg0 : i32
    %mul3A_1 = arith.constant 2048 : i32
    %mul3A_2 = arith.muli %add3A, %mul3A_1 : i32
    %add3A_3 = arith.constant 0 : i32
    %add3A_4 = arith.addi %mul3A_2, %add3A_3 : i32
    "tpu.region"() ({
      %run_scoped3A = tpu.sem_alloc : memref<!tpu.dma_semaphore, #tpu.memory_space<semaphore_mem>>
      %dma_start3A_39 = tpu.memref_slice %arg3[%add3A_4] : memref<65536xi32, #tpu.memory_space<hbm>> -> memref<512xi32, #tpu.memory_space<hbm>>
      %dma_start3A_40 = tpu.memref_slice %arg3[%add3A_4] : memref<65536xi32, #tpu.memory_space<hbm>> -> memref<512xi32, #tpu.memory_space<hbm>>
      tpu.enqueue_dma source(%dma_start3A_40 : memref<512xi32, #tpu.memory_space<hbm>>) target(%arg5 : memref<512xi32, #tpu.memory_space<vmem>>) target_semaphore(%run_scoped3A : memref<!tpu.dma_semaphore, #tpu.memory_space<semaphore_mem>>)
      %dma_wait3A_41 = tpu.memref_slice %arg3[%add3A_4] : memref<65536xi32, #tpu.memory_space<hbm>> -> memref<512xi32, #tpu.memory_space<hbm>>
      %dma_wait3A_42 = tpu.memref_slice %arg3[%add3A_4] : memref<65536xi32, #tpu.memory_space<hbm>> -> memref<512xi32, #tpu.memory_space<hbm>>
      tpu.wait_dma2 semaphore(%run_scoped3A : memref<!tpu.dma_semaphore, #tpu.memory_space<semaphore_mem>>) src(%dma_wait3A_42 : memref<512xi32, #tpu.memory_space<hbm>>) dst(%arg5 : memref<512xi32, #tpu.memory_space<vmem>>)
      tpu.yield
    }) : () -> ()
    %dma_start3A = arith.constant 0 : i32
    %dma_start3A_5 = arith.constant 0 : i32
    %dma_start3A_6 = tpu.memref_slice %arg2[%dma_start3A, %dma_start3A_5] : memref<1024x128xf32, #tpu.memory_space<hbm>> -> memref<1024x128xf32, #tpu.memory_space<hbm>>
    tpu.enqueue_indirect_dma source(%dma_start3A_6 : memref<1024x128xf32, #tpu.memory_space<hbm>>) target(%arg6 : memref<512x128xf32, #tpu.memory_space<vmem>>) offsets(%arg5 : memref<512xi32, #tpu.memory_space<vmem>>) semaphore(%arg7 : memref<!tpu.dma_semaphore, #tpu.memory_space<semaphore_mem>>)
    %dma_wait3A = arith.constant 0 : i32
    %dma_wait3A_7 = arith.constant 0 : i32
    %dma_wait3A_8 = tpu.memref_slice %arg2[%dma_wait3A, %dma_wait3A_7] : memref<1024x128xf32, #tpu.memory_space<hbm>> -> memref<1024x128xf32, #tpu.memory_space<hbm>>
    tpu.wait_indirect_dma semaphore(%arg7 : memref<!tpu.dma_semaphore, #tpu.memory_space<semaphore_mem>>) src(%dma_wait3A_8 : memref<1024x128xf32, #tpu.memory_space<hbm>>) dst(%arg6 : memref<512x128xf32, #tpu.memory_space<vmem>>)
    "tpu.region"() ({
      %run_scoped3A = tpu.sem_alloc : memref<!tpu.dma_semaphore, #tpu.memory_space<semaphore_mem>>
      %dma_start3A_39 = arith.constant 0 : i32
      %dma_start3A_40 = tpu.memref_slice %arg4[%add3A_4, %dma_start3A_39] : memref<65536x128xf32, #tpu.memory_space<hbm>> -> memref<512x128xf32, #tpu.memory_space<hbm>>
      %dma_start3A_41 = arith.constant 0 : i32
      %dma_start3A_42 = tpu.memref_slice %arg4[%add3A_4, %dma_start3A_41] : memref<65536x128xf32, #tpu.memory_space<hbm>> -> memref<512x128xf32, #tpu.memory_space<hbm>>
      tpu.enqueue_dma source(%arg6 : memref<512x128xf32, #tpu.memory_space<vmem>>) target(%dma_start3A_42 : memref<512x128xf32, #tpu.memory_space<hbm>>) target_semaphore(%run_scoped3A : memref<!tpu.dma_semaphore, #tpu.memory_space<semaphore_mem>>)
      %dma_wait3A_43 = arith.constant 0 : i32
      %dma_wait3A_44 = tpu.memref_slice %arg4[%add3A_4, %dma_wait3A_43] : memref<65536x128xf32, #tpu.memory_space<hbm>> -> memref<512x128xf32, #tpu.memory_space<hbm>>
      %dma_wait3A_45 = arith.constant 0 : i32
      %dma_wait3A_46 = tpu.memref_slice %arg4[%add3A_4, %dma_wait3A_45] : memref<65536x128xf32, #tpu.memory_space<hbm>> -> memref<512x128xf32, #tpu.memory_space<hbm>>
      tpu.wait_dma2 semaphore(%run_scoped3A : memref<!tpu.dma_semaphore, #tpu.memory_space<semaphore_mem>>) src(%arg6 : memref<512x128xf32, #tpu.memory_space<vmem>>) dst(%dma_wait3A_46 : memref<512x128xf32, #tpu.memory_space<hbm>>)
      tpu.yield
    }) : () -> ()
    %mul3A_9 = arith.constant 2048 : i32
    %mul3A_10 = arith.muli %add3A, %mul3A_9 : i32
    %add3A_11 = arith.constant 512 : i32
    %add3A_12 = arith.addi %mul3A_10, %add3A_11 : i32
    "tpu.region"() ({
      %run_scoped3A = tpu.sem_alloc : memref<!tpu.dma_semaphore, #tpu.memory_space<semaphore_mem>>
      %dma_start3A_39 = tpu.memref_slice %arg3[%add3A_12] : memref<65536xi32, #tpu.memory_space<hbm>> -> memref<512xi32, #tpu.memory_space<hbm>>
      %dma_start3A_40 = tpu.memref_slice %arg3[%add3A_12] : memref<65536xi32, #tpu.memory_space<hbm>> -> memref<512xi32, #tpu.memory_space<hbm>>
      tpu.enqueue_dma source(%dma_start3A_40 : memref<512xi32, #tpu.memory_space<hbm>>) target(%arg5 : memref<512xi32, #tpu.memory_space<vmem>>) target_semaphore(%run_scoped3A : memref<!tpu.dma_semaphore, #tpu.memory_space<semaphore_mem>>)
      %dma_wait3A_41 = tpu.memref_slice %arg3[%add3A_12] : memref<65536xi32, #tpu.memory_space<hbm>> -> memref<512xi32, #tpu.memory_space<hbm>>
      %dma_wait3A_42 = tpu.memref_slice %arg3[%add3A_12] : memref<65536xi32, #tpu.memory_space<hbm>> -> memref<512xi32, #tpu.memory_space<hbm>>
      tpu.wait_dma2 semaphore(%run_scoped3A : memref<!tpu.dma_semaphore, #tpu.memory_space<semaphore_mem>>) src(%dma_wait3A_42 : memref<512xi32, #tpu.memory_space<hbm>>) dst(%arg5 : memref<512xi32, #tpu.memory_space<vmem>>)
      tpu.yield
    }) : () -> ()
    %dma_start3A_13 = arith.constant 0 : i32
    %dma_start3A_14 = arith.constant 0 : i32
    %dma_start3A_15 = tpu.memref_slice %arg2[%dma_start3A_13, %dma_start3A_14] : memref<1024x128xf32, #tpu.memory_space<hbm>> -> memref<1024x128xf32, #tpu.memory_space<hbm>>
    tpu.enqueue_indirect_dma source(%dma_start3A_15 : memref<1024x128xf32, #tpu.memory_space<hbm>>) target(%arg6 : memref<512x128xf32, #tpu.memory_space<vmem>>) offsets(%arg5 : memref<512xi32, #tpu.memory_space<vmem>>) semaphore(%arg7 : memref<!tpu.dma_semaphore, #tpu.memory_space<semaphore_mem>>)
    %dma_wait3A_16 = arith.constant 0 : i32
    %dma_wait3A_17 = arith.constant 0 : i32
    %dma_wait3A_18 = tpu.memref_slice %arg2[%dma_wait3A_16, %dma_wait3A_17] : memref<1024x128xf32, #tpu.memory_space<hbm>> -> memref<1024x128xf32, #tpu.memory_space<hbm>>
    tpu.wait_indirect_dma semaphore(%arg7 : memref<!tpu.dma_semaphore, #tpu.memory_space<semaphore_mem>>) src(%dma_wait3A_18 : memref<1024x128xf32, #tpu.memory_space<hbm>>) dst(%arg6 : memref<512x128xf32, #tpu.memory_space<vmem>>)
    "tpu.region"() ({
      %run_scoped3A = tpu.sem_alloc : memref<!tpu.dma_semaphore, #tpu.memory_space<semaphore_mem>>
      %dma_start3A_39 = arith.constant 0 : i32
      %dma_start3A_40 = tpu.memref_slice %arg4[%add3A_12, %dma_start3A_39] : memref<65536x128xf32, #tpu.memory_space<hbm>> -> memref<512x128xf32, #tpu.memory_space<hbm>>
      %dma_start3A_41 = arith.constant 0 : i32
      %dma_start3A_42 = tpu.memref_slice %arg4[%add3A_12, %dma_start3A_41] : memref<65536x128xf32, #tpu.memory_space<hbm>> -> memref<512x128xf32, #tpu.memory_space<hbm>>
      tpu.enqueue_dma source(%arg6 : memref<512x128xf32, #tpu.memory_space<vmem>>) target(%dma_start3A_42 : memref<512x128xf32, #tpu.memory_space<hbm>>) target_semaphore(%run_scoped3A : memref<!tpu.dma_semaphore, #tpu.memory_space<semaphore_mem>>)
      %dma_wait3A_43 = arith.constant 0 : i32
      %dma_wait3A_44 = tpu.memref_slice %arg4[%add3A_12, %dma_wait3A_43] : memref<65536x128xf32, #tpu.memory_space<hbm>> -> memref<512x128xf32, #tpu.memory_space<hbm>>
      %dma_wait3A_45 = arith.constant 0 : i32
      %dma_wait3A_46 = tpu.memref_slice %arg4[%add3A_12, %dma_wait3A_45] : memref<65536x128xf32, #tpu.memory_space<hbm>> -> memref<512x128xf32, #tpu.memory_space<hbm>>
      tpu.wait_dma2 semaphore(%run_scoped3A : memref<!tpu.dma_semaphore, #tpu.memory_space<semaphore_mem>>) src(%arg6 : memref<512x128xf32, #tpu.memory_space<vmem>>) dst(%dma_wait3A_46 : memref<512x128xf32, #tpu.memory_space<hbm>>)
      tpu.yield
    }) : () -> ()
    %mul3A_19 = arith.constant 2048 : i32
    %mul3A_20 = arith.muli %add3A, %mul3A_19 : i32
    %add3A_21 = arith.constant 1024 : i32
    %add3A_22 = arith.addi %mul3A_20, %add3A_21 : i32
    "tpu.region"() ({
      %run_scoped3A = tpu.sem_alloc : memref<!tpu.dma_semaphore, #tpu.memory_space<semaphore_mem>>
      %dma_start3A_39 = tpu.memref_slice %arg3[%add3A_22] : memref<65536xi32, #tpu.memory_space<hbm>> -> memref<512xi32, #tpu.memory_space<hbm>>
      %dma_start3A_40 = tpu.memref_slice %arg3[%add3A_22] : memref<65536xi32, #tpu.memory_space<hbm>> -> memref<512xi32, #tpu.memory_space<hbm>>
      tpu.enqueue_dma source(%dma_start3A_40 : memref<512xi32, #tpu.memory_space<hbm>>) target(%arg5 : memref<512xi32, #tpu.memory_space<vmem>>) target_semaphore(%run_scoped3A : memref<!tpu.dma_semaphore, #tpu.memory_space<semaphore_mem>>)
      %dma_wait3A_41 = tpu.memref_slice %arg3[%add3A_22] : memref<65536xi32, #tpu.memory_space<hbm>> -> memref<512xi32, #tpu.memory_space<hbm>>
      %dma_wait3A_42 = tpu.memref_slice %arg3[%add3A_22] : memref<65536xi32, #tpu.memory_space<hbm>> -> memref<512xi32, #tpu.memory_space<hbm>>
      tpu.wait_dma2 semaphore(%run_scoped3A : memref<!tpu.dma_semaphore, #tpu.memory_space<semaphore_mem>>) src(%dma_wait3A_42 : memref<512xi32, #tpu.memory_space<hbm>>) dst(%arg5 : memref<512xi32, #tpu.memory_space<vmem>>)
      tpu.yield
    }) : () -> ()
    %dma_start3A_23 = arith.constant 0 : i32
    %dma_start3A_24 = arith.constant 0 : i32
    %dma_start3A_25 = tpu.memref_slice %arg2[%dma_start3A_23, %dma_start3A_24] : memref<1024x128xf32, #tpu.memory_space<hbm>> -> memref<1024x128xf32, #tpu.memory_space<hbm>>
    tpu.enqueue_indirect_dma source(%dma_start3A_25 : memref<1024x128xf32, #tpu.memory_space<hbm>>) target(%arg6 : memref<512x128xf32, #tpu.memory_space<vmem>>) offsets(%arg5 : memref<512xi32, #tpu.memory_space<vmem>>) semaphore(%arg7 : memref<!tpu.dma_semaphore, #tpu.memory_space<semaphore_mem>>)
    %dma_wait3A_26 = arith.constant 0 : i32
    %dma_wait3A_27 = arith.constant 0 : i32
    %dma_wait3A_28 = tpu.memref_slice %arg2[%dma_wait3A_26, %dma_wait3A_27] : memref<1024x128xf32, #tpu.memory_space<hbm>> -> memref<1024x128xf32, #tpu.memory_space<hbm>>
    tpu.wait_indirect_dma semaphore(%arg7 : memref<!tpu.dma_semaphore, #tpu.memory_space<semaphore_mem>>) src(%dma_wait3A_28 : memref<1024x128xf32, #tpu.memory_space<hbm>>) dst(%arg6 : memref<512x128xf32, #tpu.memory_space<vmem>>)
    "tpu.region"() ({
      %run_scoped3A = tpu.sem_alloc : memref<!tpu.dma_semaphore, #tpu.memory_space<semaphore_mem>>
      %dma_start3A_39 = arith.constant 0 : i32
      %dma_start3A_40 = tpu.memref_slice %arg4[%add3A_22, %dma_start3A_39] : memref<65536x128xf32, #tpu.memory_space<hbm>> -> memref<512x128xf32, #tpu.memory_space<hbm>>
      %dma_start3A_41 = arith.constant 0 : i32
      %dma_start3A_42 = tpu.memref_slice %arg4[%add3A_22, %dma_start3A_41] : memref<65536x128xf32, #tpu.memory_space<hbm>> -> memref<512x128xf32, #tpu.memory_space<hbm>>
      tpu.enqueue_dma source(%arg6 : memref<512x128xf32, #tpu.memory_space<vmem>>) target(%dma_start3A_42 : memref<512x128xf32, #tpu.memory_space<hbm>>) target_semaphore(%run_scoped3A : memref<!tpu.dma_semaphore, #tpu.memory_space<semaphore_mem>>)
      %dma_wait3A_43 = arith.constant 0 : i32
      %dma_wait3A_44 = tpu.memref_slice %arg4[%add3A_22, %dma_wait3A_43] : memref<65536x128xf32, #tpu.memory_space<hbm>> -> memref<512x128xf32, #tpu.memory_space<hbm>>
      %dma_wait3A_45 = arith.constant 0 : i32
      %dma_wait3A_46 = tpu.memref_slice %arg4[%add3A_22, %dma_wait3A_45] : memref<65536x128xf32, #tpu.memory_space<hbm>> -> memref<512x128xf32, #tpu.memory_space<hbm>>
      tpu.wait_dma2 semaphore(%run_scoped3A : memref<!tpu.dma_semaphore, #tpu.memory_space<semaphore_mem>>) src(%arg6 : memref<512x128xf32, #tpu.memory_space<vmem>>) dst(%dma_wait3A_46 : memref<512x128xf32, #tpu.memory_space<hbm>>)
      tpu.yield
    }) : () -> ()
    %mul3A_29 = arith.constant 2048 : i32
    %mul3A_30 = arith.muli %add3A, %mul3A_29 : i32
    %add3A_31 = arith.constant 1536 : i32
    %add3A_32 = arith.addi %mul3A_30, %add3A_31 : i32
    "tpu.region"() ({
      %run_scoped3A = tpu.sem_alloc : memref<!tpu.dma_semaphore, #tpu.memory_space<semaphore_mem>>
      %dma_start3A_39 = tpu.memref_slice %arg3[%add3A_32] : memref<65536xi32, #tpu.memory_space<hbm>> -> memref<512xi32, #tpu.memory_space<hbm>>
      %dma_start3A_40 = tpu.memref_slice %arg3[%add3A_32] : memref<65536xi32, #tpu.memory_space<hbm>> -> memref<512xi32, #tpu.memory_space<hbm>>
      tpu.enqueue_dma source(%dma_start3A_40 : memref<512xi32, #tpu.memory_space<hbm>>) target(%arg5 : memref<512xi32, #tpu.memory_space<vmem>>) target_semaphore(%run_scoped3A : memref<!tpu.dma_semaphore, #tpu.memory_space<semaphore_mem>>)
      %dma_wait3A_41 = tpu.memref_slice %arg3[%add3A_32] : memref<65536xi32, #tpu.memory_space<hbm>> -> memref<512xi32, #tpu.memory_space<hbm>>
      %dma_wait3A_42 = tpu.memref_slice %arg3[%add3A_32] : memref<65536xi32, #tpu.memory_space<hbm>> -> memref<512xi32, #tpu.memory_space<hbm>>
      tpu.wait_dma2 semaphore(%run_scoped3A : memref<!tpu.dma_semaphore, #tpu.memory_space<semaphore_mem>>) src(%dma_wait3A_42 : memref<512xi32, #tpu.memory_space<hbm>>) dst(%arg5 : memref<512xi32, #tpu.memory_space<vmem>>)
      tpu.yield
    }) : () -> ()
    %dma_start3A_33 = arith.constant 0 : i32
    %dma_start3A_34 = arith.constant 0 : i32
    %dma_start3A_35 = tpu.memref_slice %arg2[%dma_start3A_33, %dma_start3A_34] : memref<1024x128xf32, #tpu.memory_space<hbm>> -> memref<1024x128xf32, #tpu.memory_space<hbm>>
    tpu.enqueue_indirect_dma source(%dma_start3A_35 : memref<1024x128xf32, #tpu.memory_space<hbm>>) target(%arg6 : memref<512x128xf32, #tpu.memory_space<vmem>>) offsets(%arg5 : memref<512xi32, #tpu.memory_space<vmem>>) semaphore(%arg7 : memref<!tpu.dma_semaphore, #tpu.memory_space<semaphore_mem>>)
    %dma_wait3A_36 = arith.constant 0 : i32
    %dma_wait3A_37 = arith.constant 0 : i32
    %dma_wait3A_38 = tpu.memref_slice %arg2[%dma_wait3A_36, %dma_wait3A_37] : memref<1024x128xf32, #tpu.memory_space<hbm>> -> memref<1024x128xf32, #tpu.memory_space<hbm>>
    tpu.wait_indirect_dma semaphore(%arg7 : memref<!tpu.dma_semaphore, #tpu.memory_space<semaphore_mem>>) src(%dma_wait3A_38 : memref<1024x128xf32, #tpu.memory_space<hbm>>) dst(%arg6 : memref<512x128xf32, #tpu.memory_space<vmem>>)
    "tpu.region"() ({
      %run_scoped3A = tpu.sem_alloc : memref<!tpu.dma_semaphore, #tpu.memory_space<semaphore_mem>>
      %dma_start3A_39 = arith.constant 0 : i32
      %dma_start3A_40 = tpu.memref_slice %arg4[%add3A_32, %dma_start3A_39] : memref<65536x128xf32, #tpu.memory_space<hbm>> -> memref<512x128xf32, #tpu.memory_space<hbm>>
      %dma_start3A_41 = arith.constant 0 : i32
      %dma_start3A_42 = tpu.memref_slice %arg4[%add3A_32, %dma_start3A_41] : memref<65536x128xf32, #tpu.memory_space<hbm>> -> memref<512x128xf32, #tpu.memory_space<hbm>>
      tpu.enqueue_dma source(%arg6 : memref<512x128xf32, #tpu.memory_space<vmem>>) target(%dma_start3A_42 : memref<512x128xf32, #tpu.memory_space<hbm>>) target_semaphore(%run_scoped3A : memref<!tpu.dma_semaphore, #tpu.memory_space<semaphore_mem>>)
      %dma_wait3A_43 = arith.constant 0 : i32
      %dma_wait3A_44 = tpu.memref_slice %arg4[%add3A_32, %dma_wait3A_43] : memref<65536x128xf32, #tpu.memory_space<hbm>> -> memref<512x128xf32, #tpu.memory_space<hbm>>
      %dma_wait3A_45 = arith.constant 0 : i32
      %dma_wait3A_46 = tpu.memref_slice %arg4[%add3A_32, %dma_wait3A_45] : memref<65536x128xf32, #tpu.memory_space<hbm>> -> memref<512x128xf32, #tpu.memory_space<hbm>>
      tpu.wait_dma2 semaphore(%run_scoped3A : memref<!tpu.dma_semaphore, #tpu.memory_space<semaphore_mem>>) src(%arg6 : memref<512x128xf32, #tpu.memory_space<vmem>>) dst(%dma_wait3A_46 : memref<512x128xf32, #tpu.memory_space<hbm>>)
      tpu.yield
    }) : () -> ()
    return
  }
}

#map = affine_map<(d0, d1) -> (0, 0)>
#map1 = affine_map<(d0, d1) -> (0)>
module attributes {stable_mosaic.version = 14 : i64} {
  func.func @body(%arg0: i32, %arg1: i32, %arg2: memref<1024x128xf32, #tpu.memory_space<hbm>>, %arg3: memref<65536xi32, #tpu.memory_space<hbm>>, %arg4: memref<65536x128xf32, #tpu.memory_space<hbm>>, %arg5: memref<512xi32, #tpu.memory_space<vmem>>, %arg6: memref<512x128xf32, #tpu.memory_space<vmem>>, %arg7: memref<!tpu.dma_semaphore, #tpu.memory_space<semaphore_mem>>) attributes {dimension_semantics = [#tpu.dimension_semantics<core_parallel>, #tpu.dimension_semantics<subcore_parallel>], iteration_bounds = array<i64: 2, 16>, scalar_prefetch = 0 : i64, scratch_operands = 3 : i64, tpu.core_type = #tpu.core_type<sc_vector_subcore>, window_params = [{transform_indices = #map}, {transform_indices = #map1}, {transform_indices = #map}]} {
    %mul3A = arith.constant 2 : i32
    %mul3A_0 = arith.muli %arg1, %mul3A : i32
    %add3A = arith.addi %mul3A_0, %arg0 : i32
    %mul3A_1 = arith.constant 2048 : i32
    %mul3A_2 = arith.muli %add3A, %mul3A_1 : i32
    %add3A_3 = arith.constant 0 : i32
    %add3A_4 = arith.addi %mul3A_2, %add3A_3 : i32
    "tpu.region"() ({
      %run_scoped3A = tpu.sem_alloc : memref<!tpu.dma_semaphore, #tpu.memory_space<semaphore_mem>>
      %dma_start3A_39 = tpu.memref_slice %arg3[%add3A_4] : memref<65536xi32, #tpu.memory_space<hbm>> -> memref<512xi32, #tpu.memory_space<hbm>>
      %dma_start3A_40 = tpu.memref_slice %arg3[%add3A_4] : memref<65536xi32, #tpu.memory_space<hbm>> -> memref<512xi32, #tpu.memory_space<hbm>>
      tpu.enqueue_dma source(%dma_start3A_40 : memref<512xi32, #tpu.memory_space<hbm>>) target(%arg5 : memref<512xi32, #tpu.memory_space<vmem>>) target_semaphore(%run_scoped3A : memref<!tpu.dma_semaphore, #tpu.memory_space<semaphore_mem>>)
      %dma_wait3A_41 = tpu.memref_slice %arg3[%add3A_4] : memref<65536xi32, #tpu.memory_space<hbm>> -> memref<512xi32, #tpu.memory_space<hbm>>
      %dma_wait3A_42 = tpu.memref_slice %arg3[%add3A_4] : memref<65536xi32, #tpu.memory_space<hbm>> -> memref<512xi32, #tpu.memory_space<hbm>>
      tpu.wait_dma2 semaphore(%run_scoped3A : memref<!tpu.dma_semaphore, #tpu.memory_space<semaphore_mem>>) src(%dma_wait3A_42 : memref<512xi32, #tpu.memory_space<hbm>>) dst(%arg5 : memref<512xi32, #tpu.memory_space<vmem>>)
      tpu.yield
    }) : () -> ()
    %dma_start3A = arith.constant 0 : i32
    %dma_start3A_5 = arith.constant 0 : i32
    %dma_start3A_6 = tpu.memref_slice %arg2[%dma_start3A, %dma_start3A_5] : memref<1024x128xf32, #tpu.memory_space<hbm>> -> memref<1024x128xf32, #tpu.memory_space<hbm>>
    tpu.enqueue_indirect_dma source(%dma_start3A_6 : memref<1024x128xf32, #tpu.memory_space<hbm>>) target(%arg6 : memref<512x128xf32, #tpu.memory_space<vmem>>) offsets(%arg5 : memref<512xi32, #tpu.memory_space<vmem>>) semaphore(%arg7 : memref<!tpu.dma_semaphore, #tpu.memory_space<semaphore_mem>>)
    %dma_wait3A = arith.constant 0 : i32
    %dma_wait3A_7 = arith.constant 0 : i32
    %dma_wait3A_8 = tpu.memref_slice %arg2[%dma_wait3A, %dma_wait3A_7] : memref<1024x128xf32, #tpu.memory_space<hbm>> -> memref<1024x128xf32, #tpu.memory_space<hbm>>
    tpu.wait_indirect_dma semaphore(%arg7 : memref<!tpu.dma_semaphore, #tpu.memory_space<semaphore_mem>>) src(%dma_wait3A_8 : memref<1024x128xf32, #tpu.memory_space<hbm>>) dst(%arg6 : memref<512x128xf32, #tpu.memory_space<vmem>>)
    "tpu.region"() ({
      %run_scoped3A = tpu.sem_alloc : memref<!tpu.dma_semaphore, #tpu.memory_space<semaphore_mem>>
      %dma_start3A_39 = arith.constant 0 : i32
      %dma_start3A_40 = tpu.memref_slice %arg4[%add3A_4, %dma_start3A_39] : memref<65536x128xf32, #tpu.memory_space<hbm>> -> memref<512x128xf32, #tpu.memory_space<hbm>>
      %dma_start3A_41 = arith.constant 0 : i32
      %dma_start3A_42 = tpu.memref_slice %arg4[%add3A_4, %dma_start3A_41] : memref<65536x128xf32, #tpu.memory_space<hbm>> -> memref<512x128xf32, #tpu.memory_space<hbm>>
      tpu.enqueue_dma source(%arg6 : memref<512x128xf32, #tpu.memory_space<vmem>>) target(%dma_start3A_42 : memref<512x128xf32, #tpu.memory_space<hbm>>) target_semaphore(%run_scoped3A : memref<!tpu.dma_semaphore, #tpu.memory_space<semaphore_mem>>)
      %dma_wait3A_43 = arith.constant 0 : i32
      %dma_wait3A_44 = tpu.memref_slice %arg4[%add3A_4, %dma_wait3A_43] : memref<65536x128xf32, #tpu.memory_space<hbm>> -> memref<512x128xf32, #tpu.memory_space<hbm>>
      %dma_wait3A_45 = arith.constant 0 : i32
      %dma_wait3A_46 = tpu.memref_slice %arg4[%add3A_4, %dma_wait3A_45] : memref<65536x128xf32, #tpu.memory_space<hbm>> -> memref<512x128xf32, #tpu.memory_space<hbm>>
      tpu.wait_dma2 semaphore(%run_scoped3A : memref<!tpu.dma_semaphore, #tpu.memory_space<semaphore_mem>>) src(%arg6 : memref<512x128xf32, #tpu.memory_space<vmem>>) dst(%dma_wait3A_46 : memref<512x128xf32, #tpu.memory_space<hbm>>)
      tpu.yield
    }) : () -> ()
    %mul3A_9 = arith.constant 2048 : i32
    %mul3A_10 = arith.muli %add3A, %mul3A_9 : i32
    %add3A_11 = arith.constant 512 : i32
    %add3A_12 = arith.addi %mul3A_10, %add3A_11 : i32
    "tpu.region"() ({
      %run_scoped3A = tpu.sem_alloc : memref<!tpu.dma_semaphore, #tpu.memory_space<semaphore_mem>>
      %dma_start3A_39 = tpu.memref_slice %arg3[%add3A_12] : memref<65536xi32, #tpu.memory_space<hbm>> -> memref<512xi32, #tpu.memory_space<hbm>>
      %dma_start3A_40 = tpu.memref_slice %arg3[%add3A_12] : memref<65536xi32, #tpu.memory_space<hbm>> -> memref<512xi32, #tpu.memory_space<hbm>>
      tpu.enqueue_dma source(%dma_start3A_40 : memref<512xi32, #tpu.memory_space<hbm>>) target(%arg5 : memref<512xi32, #tpu.memory_space<vmem>>) target_semaphore(%run_scoped3A : memref<!tpu.dma_semaphore, #tpu.memory_space<semaphore_mem>>)
      %dma_wait3A_41 = tpu.memref_slice %arg3[%add3A_12] : memref<65536xi32, #tpu.memory_space<hbm>> -> memref<512xi32, #tpu.memory_space<hbm>>
      %dma_wait3A_42 = tpu.memref_slice %arg3[%add3A_12] : memref<65536xi32, #tpu.memory_space<hbm>> -> memref<512xi32, #tpu.memory_space<hbm>>
      tpu.wait_dma2 semaphore(%run_scoped3A : memref<!tpu.dma_semaphore, #tpu.memory_space<semaphore_mem>>) src(%dma_wait3A_42 : memref<512xi32, #tpu.memory_space<hbm>>) dst(%arg5 : memref<512xi32, #tpu.memory_space<vmem>>)
      tpu.yield
    }) : () -> ()
    %dma_start3A_13 = arith.constant 0 : i32
    %dma_start3A_14 = arith.constant 0 : i32
    %dma_start3A_15 = tpu.memref_slice %arg2[%dma_start3A_13, %dma_start3A_14] : memref<1024x128xf32, #tpu.memory_space<hbm>> -> memref<1024x128xf32, #tpu.memory_space<hbm>>
    tpu.enqueue_indirect_dma source(%dma_start3A_15 : memref<1024x128xf32, #tpu.memory_space<hbm>>) target(%arg6 : memref<512x128xf32, #tpu.memory_space<vmem>>) offsets(%arg5 : memref<512xi32, #tpu.memory_space<vmem>>) semaphore(%arg7 : memref<!tpu.dma_semaphore, #tpu.memory_space<semaphore_mem>>)
    %dma_wait3A_16 = arith.constant 0 : i32
    %dma_wait3A_17 = arith.constant 0 : i32
    %dma_wait3A_18 = tpu.memref_slice %arg2[%dma_wait3A_16, %dma_wait3A_17] : memref<1024x128xf32, #tpu.memory_space<hbm>> -> memref<1024x128xf32, #tpu.memory_space<hbm>>
    tpu.wait_indirect_dma semaphore(%arg7 : memref<!tpu.dma_semaphore, #tpu.memory_space<semaphore_mem>>) src(%dma_wait3A_18 : memref<1024x128xf32, #tpu.memory_space<hbm>>) dst(%arg6 : memref<512x128xf32, #tpu.memory_space<vmem>>)
    "tpu.region"() ({
      %run_scoped3A = tpu.sem_alloc : memref<!tpu.dma_semaphore, #tpu.memory_space<semaphore_mem>>
      %dma_start3A_39 = arith.constant 0 : i32
      %dma_start3A_40 = tpu.memref_slice %arg4[%add3A_12, %dma_start3A_39] : memref<65536x128xf32, #tpu.memory_space<hbm>> -> memref<512x128xf32, #tpu.memory_space<hbm>>
      %dma_start3A_41 = arith.constant 0 : i32
      %dma_start3A_42 = tpu.memref_slice %arg4[%add3A_12, %dma_start3A_41] : memref<65536x128xf32, #tpu.memory_space<hbm>> -> memref<512x128xf32, #tpu.memory_space<hbm>>
      tpu.enqueue_dma source(%arg6 : memref<512x128xf32, #tpu.memory_space<vmem>>) target(%dma_start3A_42 : memref<512x128xf32, #tpu.memory_space<hbm>>) target_semaphore(%run_scoped3A : memref<!tpu.dma_semaphore, #tpu.memory_space<semaphore_mem>>)
      %dma_wait3A_43 = arith.constant 0 : i32
      %dma_wait3A_44 = tpu.memref_slice %arg4[%add3A_12, %dma_wait3A_43] : memref<65536x128xf32, #tpu.memory_space<hbm>> -> memref<512x128xf32, #tpu.memory_space<hbm>>
      %dma_wait3A_45 = arith.constant 0 : i32
      %dma_wait3A_46 = tpu.memref_slice %arg4[%add3A_12, %dma_wait3A_45] : memref<65536x128xf32, #tpu.memory_space<hbm>> -> memref<512x128xf32, #tpu.memory_space<hbm>>
      tpu.wait_dma2 semaphore(%run_scoped3A : memref<!tpu.dma_semaphore, #tpu.memory_space<semaphore_mem>>) src(%arg6 : memref<512x128xf32, #tpu.memory_space<vmem>>) dst(%dma_wait3A_46 : memref<512x128xf32, #tpu.memory_space<hbm>>)
      tpu.yield
    }) : () -> ()
    %mul3A_19 = arith.constant 2048 : i32
    %mul3A_20 = arith.muli %add3A, %mul3A_19 : i32
    %add3A_21 = arith.constant 1024 : i32
    %add3A_22 = arith.addi %mul3A_20, %add3A_21 : i32
    "tpu.region"() ({
      %run_scoped3A = tpu.sem_alloc : memref<!tpu.dma_semaphore, #tpu.memory_space<semaphore_mem>>
      %dma_start3A_39 = tpu.memref_slice %arg3[%add3A_22] : memref<65536xi32, #tpu.memory_space<hbm>> -> memref<512xi32, #tpu.memory_space<hbm>>
      %dma_start3A_40 = tpu.memref_slice %arg3[%add3A_22] : memref<65536xi32, #tpu.memory_space<hbm>> -> memref<512xi32, #tpu.memory_space<hbm>>
      tpu.enqueue_dma source(%dma_start3A_40 : memref<512xi32, #tpu.memory_space<hbm>>) target(%arg5 : memref<512xi32, #tpu.memory_space<vmem>>) target_semaphore(%run_scoped3A : memref<!tpu.dma_semaphore, #tpu.memory_space<semaphore_mem>>)
      %dma_wait3A_41 = tpu.memref_slice %arg3[%add3A_22] : memref<65536xi32, #tpu.memory_space<hbm>> -> memref<512xi32, #tpu.memory_space<hbm>>
      %dma_wait3A_42 = tpu.memref_slice %arg3[%add3A_22] : memref<65536xi32, #tpu.memory_space<hbm>> -> memref<512xi32, #tpu.memory_space<hbm>>
      tpu.wait_dma2 semaphore(%run_scoped3A : memref<!tpu.dma_semaphore, #tpu.memory_space<semaphore_mem>>) src(%dma_wait3A_42 : memref<512xi32, #tpu.memory_space<hbm>>) dst(%arg5 : memref<512xi32, #tpu.memory_space<vmem>>)
      tpu.yield
    }) : () -> ()
    %dma_start3A_23 = arith.constant 0 : i32
    %dma_start3A_24 = arith.constant 0 : i32
    %dma_start3A_25 = tpu.memref_slice %arg2[%dma_start3A_23, %dma_start3A_24] : memref<1024x128xf32, #tpu.memory_space<hbm>> -> memref<1024x128xf32, #tpu.memory_space<hbm>>
    tpu.enqueue_indirect_dma source(%dma_start3A_25 : memref<1024x128xf32, #tpu.memory_space<hbm>>) target(%arg6 : memref<512x128xf32, #tpu.memory_space<vmem>>) offsets(%arg5 : memref<512xi32, #tpu.memory_space<vmem>>) semaphore(%arg7 : memref<!tpu.dma_semaphore, #tpu.memory_space<semaphore_mem>>)
    %dma_wait3A_26 = arith.constant 0 : i32
    %dma_wait3A_27 = arith.constant 0 : i32
    %dma_wait3A_28 = tpu.memref_slice %arg2[%dma_wait3A_26, %dma_wait3A_27] : memref<1024x128xf32, #tpu.memory_space<hbm>> -> memref<1024x128xf32, #tpu.memory_space<hbm>>
    tpu.wait_indirect_dma semaphore(%arg7 : memref<!tpu.dma_semaphore, #tpu.memory_space<semaphore_mem>>) src(%dma_wait3A_28 : memref<1024x128xf32, #tpu.memory_space<hbm>>) dst(%arg6 : memref<512x128xf32, #tpu.memory_space<vmem>>)
    "tpu.region"() ({
      %run_scoped3A = tpu.sem_alloc : memref<!tpu.dma_semaphore, #tpu.memory_space<semaphore_mem>>
      %dma_start3A_39 = arith.constant 0 : i32
      %dma_start3A_40 = tpu.memref_slice %arg4[%add3A_22, %dma_start3A_39] : memref<65536x128xf32, #tpu.memory_space<hbm>> -> memref<512x128xf32, #tpu.memory_space<hbm>>
      %dma_start3A_41 = arith.constant 0 : i32
      %dma_start3A_42 = tpu.memref_slice %arg4[%add3A_22, %dma_start3A_41] : memref<65536x128xf32, #tpu.memory_space<hbm>> -> memref<512x128xf32, #tpu.memory_space<hbm>>
      tpu.enqueue_dma source(%arg6 : memref<512x128xf32, #tpu.memory_space<vmem>>) target(%dma_start3A_42 : memref<512x128xf32, #tpu.memory_space<hbm>>) target_semaphore(%run_scoped3A : memref<!tpu.dma_semaphore, #tpu.memory_space<semaphore_mem>>)
      %dma_wait3A_43 = arith.constant 0 : i32
      %dma_wait3A_44 = tpu.memref_slice %arg4[%add3A_22, %dma_wait3A_43] : memref<65536x128xf32, #tpu.memory_space<hbm>> -> memref<512x128xf32, #tpu.memory_space<hbm>>
      %dma_wait3A_45 = arith.constant 0 : i32
      %dma_wait3A_46 = tpu.memref_slice %arg4[%add3A_22, %dma_wait3A_45] : memref<65536x128xf32, #tpu.memory_space<hbm>> -> memref<512x128xf32, #tpu.memory_space<hbm>>
      tpu.wait_dma2 semaphore(%run_scoped3A : memref<!tpu.dma_semaphore, #tpu.memory_space<semaphore_mem>>) src(%arg6 : memref<512x128xf32, #tpu.memory_space<vmem>>) dst(%dma_wait3A_46 : memref<512x128xf32, #tpu.memory_space<hbm>>)
      tpu.yield
    }) : () -> ()
    %mul3A_29 = arith.constant 2048 : i32
    %mul3A_30 = arith.muli %add3A, %mul3A_29 : i32
    %add3A_31 = arith.constant 1536 : i32
    %add3A_32 = arith.addi %mul3A_30, %add3A_31 : i32
    "tpu.region"() ({
      %run_scoped3A = tpu.sem_alloc : memref<!tpu.dma_semaphore, #tpu.memory_space<semaphore_mem>>
      %dma_start3A_39 = tpu.memref_slice %arg3[%add3A_32] : memref<65536xi32, #tpu.memory_space<hbm>> -> memref<512xi32, #tpu.memory_space<hbm>>
      %dma_start3A_40 = tpu.memref_slice %arg3[%add3A_32] : memref<65536xi32, #tpu.memory_space<hbm>> -> memref<512xi32, #tpu.memory_space<hbm>>
      tpu.enqueue_dma source(%dma_start3A_40 : memref<512xi32, #tpu.memory_space<hbm>>) target(%arg5 : memref<512xi32, #tpu.memory_space<vmem>>) target_semaphore(%run_scoped3A : memref<!tpu.dma_semaphore, #tpu.memory_space<semaphore_mem>>)
      %dma_wait3A_41 = tpu.memref_slice %arg3[%add3A_32] : memref<65536xi32, #tpu.memory_space<hbm>> -> memref<512xi32, #tpu.memory_space<hbm>>
      %dma_wait3A_42 = tpu.memref_slice %arg3[%add3A_32] : memref<65536xi32, #tpu.memory_space<hbm>> -> memref<512xi32, #tpu.memory_space<hbm>>
      tpu.wait_dma2 semaphore(%run_scoped3A : memref<!tpu.dma_semaphore, #tpu.memory_space<semaphore_mem>>) src(%dma_wait3A_42 : memref<512xi32, #tpu.memory_space<hbm>>) dst(%arg5 : memref<512xi32, #tpu.memory_space<vmem>>)
      tpu.yield
    }) : () -> ()
    %dma_start3A_33 = arith.constant 0 : i32
    %dma_start3A_34 = arith.constant 0 : i32
    %dma_start3A_35 = tpu.memref_slice %arg2[%dma_start3A_33, %dma_start3A_34] : memref<1024x128xf32, #tpu.memory_space<hbm>> -> memref<1024x128xf32, #tpu.memory_space<hbm>>
    tpu.enqueue_indirect_dma source(%dma_start3A_35 : memref<1024x128xf32, #tpu.memory_space<hbm>>) target(%arg6 : memref<512x128xf32, #tpu.memory_space<vmem>>) offsets(%arg5 : memref<512xi32, #tpu.memory_space<vmem>>) semaphore(%arg7 : memref<!tpu.dma_semaphore, #tpu.memory_space<semaphore_mem>>)
    %dma_wait3A_36 = arith.constant 0 : i32
    %dma_wait3A_37 = arith.constant 0 : i32
    %dma_wait3A_38 = tpu.memref_slice %arg2[%dma_wait3A_36, %dma_wait3A_37] : memref<1024x128xf32, #tpu.memory_space<hbm>> -> memref<1024x128xf32, #tpu.memory_space<hbm>>
    tpu.wait_indirect_dma semaphore(%arg7 : memref<!tpu.dma_semaphore, #tpu.memory_space<semaphore_mem>>) src(%dma_wait3A_38 : memref<1024x128xf32, #tpu.memory_space<hbm>>) dst(%arg6 : memref<512x128xf32, #tpu.memory_space<vmem>>)
    "tpu.region"() ({
      %run_scoped3A = tpu.sem_alloc : memref<!tpu.dma_semaphore, #tpu.memory_space<semaphore_mem>>
      %dma_start3A_39 = arith.constant 0 : i32
      %dma_start3A_40 = tpu.memref_slice %arg4[%add3A_32, %dma_start3A_39] : memref<65536x128xf32, #tpu.memory_space<hbm>> -> memref<512x128xf32, #tpu.memory_space<hbm>>
      %dma_start3A_41 = arith.constant 0 : i32
      %dma_start3A_42 = tpu.memref_slice %arg4[%add3A_32, %dma_start3A_41] : memref<65536x128xf32, #tpu.memory_space<hbm>> -> memref<512x128xf32, #tpu.memory_space<hbm>>
      tpu.enqueue_dma source(%arg6 : memref<512x128xf32, #tpu.memory_space<vmem>>) target(%dma_start3A_42 : memref<512x128xf32, #tpu.memory_space<hbm>>) target_semaphore(%run_scoped3A : memref<!tpu.dma_semaphore, #tpu.memory_space<semaphore_mem>>)
      %dma_wait3A_43 = arith.constant 0 : i32
      %dma_wait3A_44 = tpu.memref_slice %arg4[%add3A_32, %dma_wait3A_43] : memref<65536x128xf32, #tpu.memory_space<hbm>> -> memref<512x128xf32, #tpu.memory_space<hbm>>
      %dma_wait3A_45 = arith.constant 0 : i32
      %dma_wait3A_46 = tpu.memref_slice %arg4[%add3A_32, %dma_wait3A_45] : memref<65536x128xf32, #tpu.memory_space<hbm>> -> memref<512x128xf32, #tpu.memory_space<hbm>>
      tpu.wait_dma2 semaphore(%run_scoped3A : memref<!tpu.dma_semaphore, #tpu.memory_space<semaphore_mem>>) src(%arg6 : memref<512x128xf32, #tpu.memory_space<vmem>>) dst(%dma_wait3A_46 : memref<512x128xf32, #tpu.memory_space<hbm>>)
      tpu.yield
    }) : () -> ()
    return
  }
}

module attributes {stable_mosaic.version = 14 : i64} {
  func.func @_tc_body_first(%arg0: i32, %arg1: memref<2048x64xf32, #tpu.memory_space<vmem>>, %arg2: memref<1024x64xf32, #tpu.memory_space<vmem>>, %arg3: memref<1x1024xf32, #tpu.memory_space<vmem>>, %arg4: memref<2048x1xi32, #tpu.memory_space<vmem>>) attributes {dimension_semantics = [#tpu.dimension_semantics<arbitrary>], iteration_bounds = array<i64: 32>, scalar_prefetch = 0 : i64, scratch_operands = 0 : i64, tpu.core_type = #tpu.core_type<tc>, window_params = [{transform_indices = @transform_0, window_bounds = array<i64: 2048, 64>}, {pipeline_mode = #tpu.pipeline_mode<synchronous>, transform_indices = @transform_1, window_bounds = array<i64: 1024, 64>}, {pipeline_mode = #tpu.pipeline_mode<synchronous>, transform_indices = @transform_2, window_bounds = array<i64: 1, 1024>}, {transform_indices = @transform_3, window_bounds = array<i64: 2048, 1>}]} {
    %get3A = arith.constant 0 : index
    %get3A_0 = arith.constant 0 : index
    %get3A_1 = vector.load %arg2[%get3A, %get3A_0] : memref<1024x64xf32, #tpu.memory_space<vmem>>, vector<1024x64xf32>
    %get3A_2 = arith.constant 0 : index
    %get3A_3 = arith.constant 0 : index
    %get3A_4 = vector.load %arg3[%get3A_2, %get3A_3] : memref<1x1024xf32, #tpu.memory_space<vmem>>, vector<1x1024xf32>
    %get3A_5 = arith.constant 0 : index
    %get3A_6 = arith.constant 0 : index
    %get3A_7 = vector.load %arg1[%get3A_5, %get3A_6] : memref<2048x64xf32, #tpu.memory_space<vmem>>, vector<256x64xf32>
    %mul3A = arith.mulf %get3A_7, %get3A_7 : vector<256x64xf32>
    %reduce_sum3A = arith.constant dense<0.000000e+00> : vector<256xf32>
    %reduce_sum3A_8 = vector.multi_reduction <add>, %mul3A, %reduce_sum3A [1] : vector<256x64xf32> to vector<256xf32>
    %broadcast_in_dim3A = vector.shape_cast %reduce_sum3A_8 : vector<256xf32> to vector<256x1xf32>
    %mul3A_9 = arith.constant -2.000000e+00 : f32
    %mul3A_10 = vector.broadcast %mul3A_9 : f32 to vector<256x64xf32>
    %mul3A_11 = arith.mulf %mul3A_10, %get3A_7 : vector<256x64xf32>
    %dot_general3A = arith.constant dense<0.000000e+00> : vector<256x1024xf32>
    %dot_general3A_12 = tpu.matmul %mul3A_11, %get3A_1, %dot_general3A {dimension_numbers = #tpu.dot_dimension_numbers<[1], [1], [0], [0], [0, 0, 1, 0], [], []>, transpose_lhs_hint = false} : vector<256x64xf32>, vector<1024x64xf32>, vector<256x1024xf32> -> vector<256x1024xf32>
    %add3A = vector.broadcast %broadcast_in_dim3A : vector<256x1xf32> to vector<256x1024xf32>
    %add3A_13 = vector.broadcast %get3A_4 : vector<1x1024xf32> to vector<256x1024xf32>
    %add3A_14 = arith.addf %add3A, %add3A_13 : vector<256x1024xf32>
    %add3A_15 = arith.addf %add3A_14, %dot_general3A_12 : vector<256x1024xf32>
    %reduce_min3A = arith.constant dense<0x7F800000> : vector<256xf32>
    %reduce_min3A_16 = vector.multi_reduction <minimumf>, %add3A_15, %reduce_min3A [1] : vector<256x1024xf32> to vector<256xf32>
    %broadcast_in_dim3A_17 = vector.shape_cast %reduce_min3A_16 : vector<256xf32> to vector<256x1xf32>
    %iota3A = tpu.iota {dimensions = array<i32: 1>} : vector<256x1024xi32>
    %eq3A = vector.broadcast %broadcast_in_dim3A_17 : vector<256x1xf32> to vector<256x1024xf32>
    %eq3A_18 = arith.cmpf oeq, %add3A_15, %eq3A : vector<256x1024xf32>
    %jit3A = arith.constant 1024 : i32
    %broadcast_in_dim3A_19 = vector.broadcast %jit3A : i32 to vector<256x1024xi32>
    %select_n3A = arith.select %eq3A_18, %iota3A, %broadcast_in_dim3A_19 : vector<256x1024xi1>, vector<256x1024xi32>
    %reduce_min3A_20 = arith.constant dense<2147483647> : vector<256xi32>
    %reduce_min3A_21 = vector.multi_reduction <minsi>, %select_n3A, %reduce_min3A_20 [1] : vector<256x1024xi32> to vector<256xi32>
    %broadcast_in_dim3A_22 = vector.shape_cast %reduce_min3A_21 : vector<256xi32> to vector<256x1xi32>
    %swap3A = arith.constant 0 : index
    %swap3A_23 = arith.constant 0 : index
    %swap3A_24 = vector.load %arg4[%swap3A, %swap3A_23] : memref<2048x1xi32, #tpu.memory_space<vmem>>, vector<256x1xi32>
    tpu.vector_store %arg4[%swap3A, %swap3A_23], %broadcast_in_dim3A_22 {strides = array<i32>} : memref<2048x1xi32, #tpu.memory_space<vmem>>, vector<256x1xi32>,
    %get3A_25 = arith.constant 256 : index
    %get3A_26 = arith.constant 0 : index
    %get3A_27 = vector.load %arg1[%get3A_25, %get3A_26] : memref<2048x64xf32, #tpu.memory_space<vmem>>, vector<256x64xf32>
    %mul3A_28 = arith.mulf %get3A_27, %get3A_27 : vector<256x64xf32>
    %reduce_sum3A_29 = arith.constant dense<0.000000e+00> : vector<256xf32>
    %reduce_sum3A_30 = vector.multi_reduction <add>, %mul3A_28, %reduce_sum3A_29 [1] : vector<256x64xf32> to vector<256xf32>
    %broadcast_in_dim3A_31 = vector.shape_cast %reduce_sum3A_30 : vector<256xf32> to vector<256x1xf32>
    %mul3A_32 = arith.constant -2.000000e+00 : f32
    %mul3A_33 = vector.broadcast %mul3A_32 : f32 to vector<256x64xf32>
    %mul3A_34 = arith.mulf %mul3A_33, %get3A_27 : vector<256x64xf32>
    %dot_general3A_35 = arith.constant dense<0.000000e+00> : vector<256x1024xf32>
    %dot_general3A_36 = tpu.matmul %mul3A_34, %get3A_1, %dot_general3A_35 {dimension_numbers = #tpu.dot_dimension_numbers<[1], [1], [0], [0], [0, 0, 1, 0], [], []>, transpose_lhs_hint = false} : vector<256x64xf32>, vector<1024x64xf32>, vector<256x1024xf32> -> vector<256x1024xf32>
    %add3A_37 = vector.broadcast %broadcast_in_dim3A_31 : vector<256x1xf32> to vector<256x1024xf32>
    %add3A_38 = vector.broadcast %get3A_4 : vector<1x1024xf32> to vector<256x1024xf32>
    %add3A_39 = arith.addf %add3A_37, %add3A_38 : vector<256x1024xf32>
    %add3A_40 = arith.addf %add3A_39, %dot_general3A_36 : vector<256x1024xf32>
    %reduce_min3A_41 = arith.constant dense<0x7F800000> : vector<256xf32>
    %reduce_min3A_42 = vector.multi_reduction <minimumf>, %add3A_40, %reduce_min3A_41 [1] : vector<256x1024xf32> to vector<256xf32>
    %broadcast_in_dim3A_43 = vector.shape_cast %reduce_min3A_42 : vector<256xf32> to vector<256x1xf32>
    %iota3A_44 = tpu.iota {dimensions = array<i32: 1>} : vector<256x1024xi32>
    %eq3A_45 = vector.broadcast %broadcast_in_dim3A_43 : vector<256x1xf32> to vector<256x1024xf32>
    %eq3A_46 = arith.cmpf oeq, %add3A_40, %eq3A_45 : vector<256x1024xf32>
    %jit3A_47 = arith.constant 1024 : i32
    %broadcast_in_dim3A_48 = vector.broadcast %jit3A_47 : i32 to vector<256x1024xi32>
    %select_n3A_49 = arith.select %eq3A_46, %iota3A_44, %broadcast_in_dim3A_48 : vector<256x1024xi1>, vector<256x1024xi32>
    %reduce_min3A_50 = arith.constant dense<2147483647> : vector<256xi32>
    %reduce_min3A_51 = vector.multi_reduction <minsi>, %select_n3A_49, %reduce_min3A_50 [1] : vector<256x1024xi32> to vector<256xi32>
    %broadcast_in_dim3A_52 = vector.shape_cast %reduce_min3A_51 : vector<256xi32> to vector<256x1xi32>
    %swap3A_53 = arith.constant 256 : index
    %swap3A_54 = arith.constant 0 : index
    %swap3A_55 = vector.load %arg4[%swap3A_53, %swap3A_54] : memref<2048x1xi32, #tpu.memory_space<vmem>>, vector<256x1xi32>
    tpu.vector_store %arg4[%swap3A_53, %swap3A_54], %broadcast_in_dim3A_52 {strides = array<i32>} : memref<2048x1xi32, #tpu.memory_space<vmem>>, vector<256x1xi32>,
    %get3A_56 = arith.constant 512 : index
    %get3A_57 = arith.constant 0 : index
    %get3A_58 = vector.load %arg1[%get3A_56, %get3A_57] : memref<2048x64xf32, #tpu.memory_space<vmem>>, vector<256x64xf32>
    %mul3A_59 = arith.mulf %get3A_58, %get3A_58 : vector<256x64xf32>
    %reduce_sum3A_60 = arith.constant dense<0.000000e+00> : vector<256xf32>
    %reduce_sum3A_61 = vector.multi_reduction <add>, %mul3A_59, %reduce_sum3A_60 [1] : vector<256x64xf32> to vector<256xf32>
    %broadcast_in_dim3A_62 = vector.shape_cast %reduce_sum3A_61 : vector<256xf32> to vector<256x1xf32>
    %mul3A_63 = arith.constant -2.000000e+00 : f32
    %mul3A_64 = vector.broadcast %mul3A_63 : f32 to vector<256x64xf32>
    %mul3A_65 = arith.mulf %mul3A_64, %get3A_58 : vector<256x64xf32>
    %dot_general3A_66 = arith.constant dense<0.000000e+00> : vector<256x1024xf32>
    %dot_general3A_67 = tpu.matmul %mul3A_65, %get3A_1, %dot_general3A_66 {dimension_numbers = #tpu.dot_dimension_numbers<[1], [1], [0], [0], [0, 0, 1, 0], [], []>, transpose_lhs_hint = false} : vector<256x64xf32>, vector<1024x64xf32>, vector<256x1024xf32> -> vector<256x1024xf32>
    %add3A_68 = vector.broadcast %broadcast_in_dim3A_62 : vector<256x1xf32> to vector<256x1024xf32>
    %add3A_69 = vector.broadcast %get3A_4 : vector<1x1024xf32> to vector<256x1024xf32>
    %add3A_70 = arith.addf %add3A_68, %add3A_69 : vector<256x1024xf32>
    %add3A_71 = arith.addf %add3A_70, %dot_general3A_67 : vector<256x1024xf32>
    %reduce_min3A_72 = arith.constant dense<0x7F800000> : vector<256xf32>
    %reduce_min3A_73 = vector.multi_reduction <minimumf>, %add3A_71, %reduce_min3A_72 [1] : vector<256x1024xf32> to vector<256xf32>
    %broadcast_in_dim3A_74 = vector.shape_cast %reduce_min3A_73 : vector<256xf32> to vector<256x1xf32>
    %iota3A_75 = tpu.iota {dimensions = array<i32: 1>} : vector<256x1024xi32>
    %eq3A_76 = vector.broadcast %broadcast_in_dim3A_74 : vector<256x1xf32> to vector<256x1024xf32>
    %eq3A_77 = arith.cmpf oeq, %add3A_71, %eq3A_76 : vector<256x1024xf32>
    %jit3A_78 = arith.constant 1024 : i32
    %broadcast_in_dim3A_79 = vector.broadcast %jit3A_78 : i32 to vector<256x1024xi32>
    %select_n3A_80 = arith.select %eq3A_77, %iota3A_75, %broadcast_in_dim3A_79 : vector<256x1024xi1>, vector<256x1024xi32>
    %reduce_min3A_81 = arith.constant dense<2147483647> : vector<256xi32>
    %reduce_min3A_82 = vector.multi_reduction <minsi>, %select_n3A_80, %reduce_min3A_81 [1] : vector<256x1024xi32> to vector<256xi32>
    %broadcast_in_dim3A_83 = vector.shape_cast %reduce_min3A_82 : vector<256xi32> to vector<256x1xi32>
    %swap3A_84 = arith.constant 512 : index
    %swap3A_85 = arith.constant 0 : index
    %swap3A_86 = vector.load %arg4[%swap3A_84, %swap3A_85] : memref<2048x1xi32, #tpu.memory_space<vmem>>, vector<256x1xi32>
    tpu.vector_store %arg4[%swap3A_84, %swap3A_85], %broadcast_in_dim3A_83 {strides = array<i32>} : memref<2048x1xi32, #tpu.memory_space<vmem>>, vector<256x1xi32>,
    %get3A_87 = arith.constant 768 : index
    %get3A_88 = arith.constant 0 : index
    %get3A_89 = vector.load %arg1[%get3A_87, %get3A_88] : memref<2048x64xf32, #tpu.memory_space<vmem>>, vector<256x64xf32>
    %mul3A_90 = arith.mulf %get3A_89, %get3A_89 : vector<256x64xf32>
    %reduce_sum3A_91 = arith.constant dense<0.000000e+00> : vector<256xf32>
    %reduce_sum3A_92 = vector.multi_reduction <add>, %mul3A_90, %reduce_sum3A_91 [1] : vector<256x64xf32> to vector<256xf32>
    %broadcast_in_dim3A_93 = vector.shape_cast %reduce_sum3A_92 : vector<256xf32> to vector<256x1xf32>
    %mul3A_94 = arith.constant -2.000000e+00 : f32
    %mul3A_95 = vector.broadcast %mul3A_94 : f32 to vector<256x64xf32>
    %mul3A_96 = arith.mulf %mul3A_95, %get3A_89 : vector<256x64xf32>
    %dot_general3A_97 = arith.constant dense<0.000000e+00> : vector<256x1024xf32>
    %dot_general3A_98 = tpu.matmul %mul3A_96, %get3A_1, %dot_general3A_97 {dimension_numbers = #tpu.dot_dimension_numbers<[1], [1], [0], [0], [0, 0, 1, 0], [], []>, transpose_lhs_hint = false} : vector<256x64xf32>, vector<1024x64xf32>, vector<256x1024xf32> -> vector<256x1024xf32>
    %add3A_99 = vector.broadcast %broadcast_in_dim3A_93 : vector<256x1xf32> to vector<256x1024xf32>
    %add3A_100 = vector.broadcast %get3A_4 : vector<1x1024xf32> to vector<256x1024xf32>
    %add3A_101 = arith.addf %add3A_99, %add3A_100 : vector<256x1024xf32>
    %add3A_102 = arith.addf %add3A_101, %dot_general3A_98 : vector<256x1024xf32>
    %reduce_min3A_103 = arith.constant dense<0x7F800000> : vector<256xf32>
    %reduce_min3A_104 = vector.multi_reduction <minimumf>, %add3A_102, %reduce_min3A_103 [1] : vector<256x1024xf32> to vector<256xf32>
    %broadcast_in_dim3A_105 = vector.shape_cast %reduce_min3A_104 : vector<256xf32> to vector<256x1xf32>
    %iota3A_106 = tpu.iota {dimensions = array<i32: 1>} : vector<256x1024xi32>
    %eq3A_107 = vector.broadcast %broadcast_in_dim3A_105 : vector<256x1xf32> to vector<256x1024xf32>
    %eq3A_108 = arith.cmpf oeq, %add3A_102, %eq3A_107 : vector<256x1024xf32>
    %jit3A_109 = arith.constant 1024 : i32
    %broadcast_in_dim3A_110 = vector.broadcast %jit3A_109 : i32 to vector<256x1024xi32>
    %select_n3A_111 = arith.select %eq3A_108, %iota3A_106, %broadcast_in_dim3A_110 : vector<256x1024xi1>, vector<256x1024xi32>
    %reduce_min3A_112 = arith.constant dense<2147483647> : vector<256xi32>
    %reduce_min3A_113 = vector.multi_reduction <minsi>, %select_n3A_111, %reduce_min3A_112 [1] : vector<256x1024xi32> to vector<256xi32>
    %broadcast_in_dim3A_114 = vector.shape_cast %reduce_min3A_113 : vector<256xi32> to vector<256x1xi32>
    %swap3A_115 = arith.constant 768 : index
    %swap3A_116 = arith.constant 0 : index
    %swap3A_117 = vector.load %arg4[%swap3A_115, %swap3A_116] : memref<2048x1xi32, #tpu.memory_space<vmem>>, vector<256x1xi32>
    tpu.vector_store %arg4[%swap3A_115, %swap3A_116], %broadcast_in_dim3A_114 {strides = array<i32>} : memref<2048x1xi32, #tpu.memory_space<vmem>>, vector<256x1xi32>,
    %get3A_118 = arith.constant 1024 : index
    %get3A_119 = arith.constant 0 : index
    %get3A_120 = vector.load %arg1[%get3A_118, %get3A_119] : memref<2048x64xf32, #tpu.memory_space<vmem>>, vector<256x64xf32>
    %mul3A_121 = arith.mulf %get3A_120, %get3A_120 : vector<256x64xf32>
    %reduce_sum3A_122 = arith.constant dense<0.000000e+00> : vector<256xf32>
    %reduce_sum3A_123 = vector.multi_reduction <add>, %mul3A_121, %reduce_sum3A_122 [1] : vector<256x64xf32> to vector<256xf32>
    %broadcast_in_dim3A_124 = vector.shape_cast %reduce_sum3A_123 : vector<256xf32> to vector<256x1xf32>
    %mul3A_125 = arith.constant -2.000000e+00 : f32
    %mul3A_126 = vector.broadcast %mul3A_125 : f32 to vector<256x64xf32>
    %mul3A_127 = arith.mulf %mul3A_126, %get3A_120 : vector<256x64xf32>
    %dot_general3A_128 = arith.constant dense<0.000000e+00> : vector<256x1024xf32>
    %dot_general3A_129 = tpu.matmul %mul3A_127, %get3A_1, %dot_general3A_128 {dimension_numbers = #tpu.dot_dimension_numbers<[1], [1], [0], [0], [0, 0, 1, 0], [], []>, transpose_lhs_hint = false} : vector<256x64xf32>, vector<1024x64xf32>, vector<256x1024xf32> -> vector<256x1024xf32>
    %add3A_130 = vector.broadcast %broadcast_in_dim3A_124 : vector<256x1xf32> to vector<256x1024xf32>
    %add3A_131 = vector.broadcast %get3A_4 : vector<1x1024xf32> to vector<256x1024xf32>
    %add3A_132 = arith.addf %add3A_130, %add3A_131 : vector<256x1024xf32>
    %add3A_133 = arith.addf %add3A_132, %dot_general3A_129 : vector<256x1024xf32>
    %reduce_min3A_134 = arith.constant dense<0x7F800000> : vector<256xf32>
    %reduce_min3A_135 = vector.multi_reduction <minimumf>, %add3A_133, %reduce_min3A_134 [1] : vector<256x1024xf32> to vector<256xf32>
    %broadcast_in_dim3A_136 = vector.shape_cast %reduce_min3A_135 : vector<256xf32> to vector<256x1xf32>
    %iota3A_137 = tpu.iota {dimensions = array<i32: 1>} : vector<256x1024xi32>
    %eq3A_138 = vector.broadcast %broadcast_in_dim3A_136 : vector<256x1xf32> to vector<256x1024xf32>
    %eq3A_139 = arith.cmpf oeq, %add3A_133, %eq3A_138 : vector<256x1024xf32>
    %jit3A_140 = arith.constant 1024 : i32
    %broadcast_in_dim3A_141 = vector.broadcast %jit3A_140 : i32 to vector<256x1024xi32>
    %select_n3A_142 = arith.select %eq3A_139, %iota3A_137, %broadcast_in_dim3A_141 : vector<256x1024xi1>, vector<256x1024xi32>
    %reduce_min3A_143 = arith.constant dense<2147483647> : vector<256xi32>
    %reduce_min3A_144 = vector.multi_reduction <minsi>, %select_n3A_142, %reduce_min3A_143 [1] : vector<256x1024xi32> to vector<256xi32>
    %broadcast_in_dim3A_145 = vector.shape_cast %reduce_min3A_144 : vector<256xi32> to vector<256x1xi32>
    %swap3A_146 = arith.constant 1024 : index
    %swap3A_147 = arith.constant 0 : index
    %swap3A_148 = vector.load %arg4[%swap3A_146, %swap3A_147] : memref<2048x1xi32, #tpu.memory_space<vmem>>, vector<256x1xi32>
    tpu.vector_store %arg4[%swap3A_146, %swap3A_147], %broadcast_in_dim3A_145 {strides = array<i32>} : memref<2048x1xi32, #tpu.memory_space<vmem>>, vector<256x1xi32>,
    %get3A_149 = arith.constant 1280 : index
    %get3A_150 = arith.constant 0 : index
    %get3A_151 = vector.load %arg1[%get3A_149, %get3A_150] : memref<2048x64xf32, #tpu.memory_space<vmem>>, vector<256x64xf32>
    %mul3A_152 = arith.mulf %get3A_151, %get3A_151 : vector<256x64xf32>
    %reduce_sum3A_153 = arith.constant dense<0.000000e+00> : vector<256xf32>
    %reduce_sum3A_154 = vector.multi_reduction <add>, %mul3A_152, %reduce_sum3A_153 [1] : vector<256x64xf32> to vector<256xf32>
    %broadcast_in_dim3A_155 = vector.shape_cast %reduce_sum3A_154 : vector<256xf32> to vector<256x1xf32>
    %mul3A_156 = arith.constant -2.000000e+00 : f32
    %mul3A_157 = vector.broadcast %mul3A_156 : f32 to vector<256x64xf32>
    %mul3A_158 = arith.mulf %mul3A_157, %get3A_151 : vector<256x64xf32>
    %dot_general3A_159 = arith.constant dense<0.000000e+00> : vector<256x1024xf32>
    %dot_general3A_160 = tpu.matmul %mul3A_158, %get3A_1, %dot_general3A_159 {dimension_numbers = #tpu.dot_dimension_numbers<[1], [1], [0], [0], [0, 0, 1, 0], [], []>, transpose_lhs_hint = false} : vector<256x64xf32>, vector<1024x64xf32>, vector<256x1024xf32> -> vector<256x1024xf32>
    %add3A_161 = vector.broadcast %broadcast_in_dim3A_155 : vector<256x1xf32> to vector<256x1024xf32>
    %add3A_162 = vector.broadcast %get3A_4 : vector<1x1024xf32> to vector<256x1024xf32>
    %add3A_163 = arith.addf %add3A_161, %add3A_162 : vector<256x1024xf32>
    %add3A_164 = arith.addf %add3A_163, %dot_general3A_160 : vector<256x1024xf32>
    %reduce_min3A_165 = arith.constant dense<0x7F800000> : vector<256xf32>
    %reduce_min3A_166 = vector.multi_reduction <minimumf>, %add3A_164, %reduce_min3A_165 [1] : vector<256x1024xf32> to vector<256xf32>
    %broadcast_in_dim3A_167 = vector.shape_cast %reduce_min3A_166 : vector<256xf32> to vector<256x1xf32>
    %iota3A_168 = tpu.iota {dimensions = array<i32: 1>} : vector<256x1024xi32>
    %eq3A_169 = vector.broadcast %broadcast_in_dim3A_167 : vector<256x1xf32> to vector<256x1024xf32>
    %eq3A_170 = arith.cmpf oeq, %add3A_164, %eq3A_169 : vector<256x1024xf32>
    %jit3A_171 = arith.constant 1024 : i32
    %broadcast_in_dim3A_172 = vector.broadcast %jit3A_171 : i32 to vector<256x1024xi32>
    %select_n3A_173 = arith.select %eq3A_170, %iota3A_168, %broadcast_in_dim3A_172 : vector<256x1024xi1>, vector<256x1024xi32>
    %reduce_min3A_174 = arith.constant dense<2147483647> : vector<256xi32>
    %reduce_min3A_175 = vector.multi_reduction <minsi>, %select_n3A_173, %reduce_min3A_174 [1] : vector<256x1024xi32> to vector<256xi32>
    %broadcast_in_dim3A_176 = vector.shape_cast %reduce_min3A_175 : vector<256xi32> to vector<256x1xi32>
    %swap3A_177 = arith.constant 1280 : index
    %swap3A_178 = arith.constant 0 : index
    %swap3A_179 = vector.load %arg4[%swap3A_177, %swap3A_178] : memref<2048x1xi32, #tpu.memory_space<vmem>>, vector<256x1xi32>
    tpu.vector_store %arg4[%swap3A_177, %swap3A_178], %broadcast_in_dim3A_176 {strides = array<i32>} : memref<2048x1xi32, #tpu.memory_space<vmem>>, vector<256x1xi32>,
    %get3A_180 = arith.constant 1536 : index
    %get3A_181 = arith.constant 0 : index
    %get3A_182 = vector.load %arg1[%get3A_180, %get3A_181] : memref<2048x64xf32, #tpu.memory_space<vmem>>, vector<256x64xf32>
    %mul3A_183 = arith.mulf %get3A_182, %get3A_182 : vector<256x64xf32>
    %reduce_sum3A_184 = arith.constant dense<0.000000e+00> : vector<256xf32>
    %reduce_sum3A_185 = vector.multi_reduction <add>, %mul3A_183, %reduce_sum3A_184 [1] : vector<256x64xf32> to vector<256xf32>
    %broadcast_in_dim3A_186 = vector.shape_cast %reduce_sum3A_185 : vector<256xf32> to vector<256x1xf32>
    %mul3A_187 = arith.constant -2.000000e+00 : f32
    %mul3A_188 = vector.broadcast %mul3A_187 : f32 to vector<256x64xf32>
    %mul3A_189 = arith.mulf %mul3A_188, %get3A_182 : vector<256x64xf32>
    %dot_general3A_190 = arith.constant dense<0.000000e+00> : vector<256x1024xf32>
    %dot_general3A_191 = tpu.matmul %mul3A_189, %get3A_1, %dot_general3A_190 {dimension_numbers = #tpu.dot_dimension_numbers<[1], [1], [0], [0], [0, 0, 1, 0], [], []>, transpose_lhs_hint = false} : vector<256x64xf32>, vector<1024x64xf32>, vector<256x1024xf32> -> vector<256x1024xf32>
    %add3A_192 = vector.broadcast %broadcast_in_dim3A_186 : vector<256x1xf32> to vector<256x1024xf32>
    %add3A_193 = vector.broadcast %get3A_4 : vector<1x1024xf32> to vector<256x1024xf32>
    %add3A_194 = arith.addf %add3A_192, %add3A_193 : vector<256x1024xf32>
    %add3A_195 = arith.addf %add3A_194, %dot_general3A_191 : vector<256x1024xf32>
    %reduce_min3A_196 = arith.constant dense<0x7F800000> : vector<256xf32>
    %reduce_min3A_197 = vector.multi_reduction <minimumf>, %add3A_195, %reduce_min3A_196 [1] : vector<256x1024xf32> to vector<256xf32>
    %broadcast_in_dim3A_198 = vector.shape_cast %reduce_min3A_197 : vector<256xf32> to vector<256x1xf32>
    %iota3A_199 = tpu.iota {dimensions = array<i32: 1>} : vector<256x1024xi32>
    %eq3A_200 = vector.broadcast %broadcast_in_dim3A_198 : vector<256x1xf32> to vector<256x1024xf32>
    %eq3A_201 = arith.cmpf oeq, %add3A_195, %eq3A_200 : vector<256x1024xf32>
    %jit3A_202 = arith.constant 1024 : i32
    %broadcast_in_dim3A_203 = vector.broadcast %jit3A_202 : i32 to vector<256x1024xi32>
    %select_n3A_204 = arith.select %eq3A_201, %iota3A_199, %broadcast_in_dim3A_203 : vector<256x1024xi1>, vector<256x1024xi32>
    %reduce_min3A_205 = arith.constant dense<2147483647> : vector<256xi32>
    %reduce_min3A_206 = vector.multi_reduction <minsi>, %select_n3A_204, %reduce_min3A_205 [1] : vector<256x1024xi32> to vector<256xi32>
    %broadcast_in_dim3A_207 = vector.shape_cast %reduce_min3A_206 : vector<256xi32> to vector<256x1xi32>
    %swap3A_208 = arith.constant 1536 : index
    %swap3A_209 = arith.constant 0 : index
    %swap3A_210 = vector.load %arg4[%swap3A_208, %swap3A_209] : memref<2048x1xi32, #tpu.memory_space<vmem>>, vector<256x1xi32>
    tpu.vector_store %arg4[%swap3A_208, %swap3A_209], %broadcast_in_dim3A_207 {strides = array<i32>} : memref<2048x1xi32, #tpu.memory_space<vmem>>, vector<256x1xi32>,
    %get3A_211 = arith.constant 1792 : index
    %get3A_212 = arith.constant 0 : index
    %get3A_213 = vector.load %arg1[%get3A_211, %get3A_212] : memref<2048x64xf32, #tpu.memory_space<vmem>>, vector<256x64xf32>
    %mul3A_214 = arith.mulf %get3A_213, %get3A_213 : vector<256x64xf32>
    %reduce_sum3A_215 = arith.constant dense<0.000000e+00> : vector<256xf32>
    %reduce_sum3A_216 = vector.multi_reduction <add>, %mul3A_214, %reduce_sum3A_215 [1] : vector<256x64xf32> to vector<256xf32>
    %broadcast_in_dim3A_217 = vector.shape_cast %reduce_sum3A_216 : vector<256xf32> to vector<256x1xf32>
    %mul3A_218 = arith.constant -2.000000e+00 : f32
    %mul3A_219 = vector.broadcast %mul3A_218 : f32 to vector<256x64xf32>
    %mul3A_220 = arith.mulf %mul3A_219, %get3A_213 : vector<256x64xf32>
    %dot_general3A_221 = arith.constant dense<0.000000e+00> : vector<256x1024xf32>
    %dot_general3A_222 = tpu.matmul %mul3A_220, %get3A_1, %dot_general3A_221 {dimension_numbers = #tpu.dot_dimension_numbers<[1], [1], [0], [0], [0, 0, 1, 0], [], []>, transpose_lhs_hint = false} : vector<256x64xf32>, vector<1024x64xf32>, vector<256x1024xf32> -> vector<256x1024xf32>
    %add3A_223 = vector.broadcast %broadcast_in_dim3A_217 : vector<256x1xf32> to vector<256x1024xf32>
    %add3A_224 = vector.broadcast %get3A_4 : vector<1x1024xf32> to vector<256x1024xf32>
    %add3A_225 = arith.addf %add3A_223, %add3A_224 : vector<256x1024xf32>
    %add3A_226 = arith.addf %add3A_225, %dot_general3A_222 : vector<256x1024xf32>
    %reduce_min3A_227 = arith.constant dense<0x7F800000> : vector<256xf32>
    %reduce_min3A_228 = vector.multi_reduction <minimumf>, %add3A_226, %reduce_min3A_227 [1] : vector<256x1024xf32> to vector<256xf32>
    %broadcast_in_dim3A_229 = vector.shape_cast %reduce_min3A_228 : vector<256xf32> to vector<256x1xf32>
    %iota3A_230 = tpu.iota {dimensions = array<i32: 1>} : vector<256x1024xi32>
    %eq3A_231 = vector.broadcast %broadcast_in_dim3A_229 : vector<256x1xf32> to vector<256x1024xf32>
    %eq3A_232 = arith.cmpf oeq, %add3A_226, %eq3A_231 : vector<256x1024xf32>
    %jit3A_233 = arith.constant 1024 : i32
    %broadcast_in_dim3A_234 = vector.broadcast %jit3A_233 : i32 to vector<256x1024xi32>
    %select_n3A_235 = arith.select %eq3A_232, %iota3A_230, %broadcast_in_dim3A_234 : vector<256x1024xi1>, vector<256x1024xi32>
    %reduce_min3A_236 = arith.constant dense<2147483647> : vector<256xi32>
    %reduce_min3A_237 = vector.multi_reduction <minsi>, %select_n3A_235, %reduce_min3A_236 [1] : vector<256x1024xi32> to vector<256xi32>
    %broadcast_in_dim3A_238 = vector.shape_cast %reduce_min3A_237 : vector<256xi32> to vector<256x1xi32>
    %swap3A_239 = arith.constant 1792 : index
    %swap3A_240 = arith.constant 0 : index
    %swap3A_241 = vector.load %arg4[%swap3A_239, %swap3A_240] : memref<2048x1xi32, #tpu.memory_space<vmem>>, vector<256x1xi32>
    tpu.vector_store %arg4[%swap3A_239, %swap3A_240], %broadcast_in_dim3A_238 {strides = array<i32>} : memref<2048x1xi32, #tpu.memory_space<vmem>>, vector<256x1xi32>,
    return
  }
  func.func @transform_0(%arg0: i32) -> (i32, i32) {
    %c0_i32 = arith.constant 0 : i32
    %c0_i32_0 = arith.constant 0 : i32
    return %arg0, %c0_i32 : i32, i32
  }
  func.func @transform_1(%arg0: i32) -> (i32, i32) {
    %c0_i32 = arith.constant 0 : i32
    %c0_i32_0 = arith.constant 0 : i32
    %c0_i32_1 = arith.constant 0 : i32
    return %c0_i32, %c0_i32_0 : i32, i32
  }
  func.func @transform_2(%arg0: i32) -> (i32, i32) {
    %c0_i32 = arith.constant 0 : i32
    %c0_i32_0 = arith.constant 0 : i32
    %c0_i32_1 = arith.constant 0 : i32
    return %c0_i32, %c0_i32_0 : i32, i32
  }
  func.func @transform_3(%arg0: i32) -> (i32, i32) {
    %c0_i32 = arith.constant 0 : i32
    %c0_i32_0 = arith.constant 0 : i32
    return %arg0, %c0_i32 : i32, i32
  }
}

module attributes {stable_mosaic.version = 14 : i64} {
  func.func @_tc_body(%arg0: i32, %arg1: memref<2048x64xf32, #tpu.memory_space<vmem>>, %arg2: memref<2048x128xf32, #tpu.memory_space<vmem>>, %arg3: memref<1024x64xf32, #tpu.memory_space<vmem>>, %arg4: memref<1x1024xf32, #tpu.memory_space<vmem>>, %arg5: memref<2048x1xi32, #tpu.memory_space<vmem>>, %arg6: memref<2048x64xf32, #tpu.memory_space<vmem>>) attributes {dimension_semantics = [#tpu.dimension_semantics<arbitrary>], iteration_bounds = array<i64: 32>, scalar_prefetch = 0 : i64, scratch_operands = 0 : i64, tpu.core_type = #tpu.core_type<tc>, window_params = [{transform_indices = @transform_0, window_bounds = array<i64: 2048, 64>}, {transform_indices = @transform_1, window_bounds = array<i64: 2048, 128>}, {pipeline_mode = #tpu.pipeline_mode<synchronous>, transform_indices = @transform_2, window_bounds = array<i64: 1024, 64>}, {pipeline_mode = #tpu.pipeline_mode<synchronous>, transform_indices = @transform_3, window_bounds = array<i64: 1, 1024>}, {transform_indices = @transform_4, window_bounds = array<i64: 2048, 1>}, {transform_indices = @transform_5, window_bounds = array<i64: 2048, 64>}]} {
    %get3A = arith.constant 0 : index
    %get3A_0 = arith.constant 0 : index
    %get3A_1 = vector.load %arg3[%get3A, %get3A_0] : memref<1024x64xf32, #tpu.memory_space<vmem>>, vector<1024x64xf32>
    %get3A_2 = arith.constant 0 : index
    %get3A_3 = arith.constant 0 : index
    %get3A_4 = vector.load %arg4[%get3A_2, %get3A_3] : memref<1x1024xf32, #tpu.memory_space<vmem>>, vector<1x1024xf32>
    %get3A_5 = arith.constant 0 : index
    %get3A_6 = arith.constant 0 : index
    %get3A_7 = vector.load %arg1[%get3A_5, %get3A_6] : memref<2048x64xf32, #tpu.memory_space<vmem>>, vector<256x64xf32>
    %get3A_8 = arith.constant 0 : index
    %get3A_9 = arith.constant 0 : index
    %get3A_10 = vector.load %arg2[%get3A_8, %get3A_9] : memref<2048x128xf32, #tpu.memory_space<vmem>>, vector<256x64xf32>
    %sub3A = arith.subf %get3A_7, %get3A_10 : vector<256x64xf32>
    %swap3A = arith.constant 0 : index
    %swap3A_11 = arith.constant 0 : index
    %swap3A_12 = vector.load %arg6[%swap3A, %swap3A_11] : memref<2048x64xf32, #tpu.memory_space<vmem>>, vector<256x64xf32>
    tpu.vector_store %arg6[%swap3A, %swap3A_11], %sub3A {strides = array<i32>} : memref<2048x64xf32, #tpu.memory_space<vmem>>, vector<256x64xf32>,
    %mul3A = arith.mulf %sub3A, %sub3A : vector<256x64xf32>
    %reduce_sum3A = arith.constant dense<0.000000e+00> : vector<256xf32>
    %reduce_sum3A_13 = vector.multi_reduction <add>, %mul3A, %reduce_sum3A [1] : vector<256x64xf32> to vector<256xf32>
    %broadcast_in_dim3A = vector.shape_cast %reduce_sum3A_13 : vector<256xf32> to vector<256x1xf32>
    %mul3A_14 = arith.constant -2.000000e+00 : f32
    %mul3A_15 = vector.broadcast %mul3A_14 : f32 to vector<256x64xf32>
    %mul3A_16 = arith.mulf %mul3A_15, %sub3A : vector<256x64xf32>
    %dot_general3A = arith.constant dense<0.000000e+00> : vector<256x1024xf32>
    %dot_general3A_17 = tpu.matmul %mul3A_16, %get3A_1, %dot_general3A {dimension_numbers = #tpu.dot_dimension_numbers<[1], [1], [0], [0], [0, 0, 1, 0], [], []>, transpose_lhs_hint = false} : vector<256x64xf32>, vector<1024x64xf32>, vector<256x1024xf32> -> vector<256x1024xf32>
    %add3A = vector.broadcast %broadcast_in_dim3A : vector<256x1xf32> to vector<256x1024xf32>
    %add3A_18 = vector.broadcast %get3A_4 : vector<1x1024xf32> to vector<256x1024xf32>
    %add3A_19 = arith.addf %add3A, %add3A_18 : vector<256x1024xf32>
    %add3A_20 = arith.addf %add3A_19, %dot_general3A_17 : vector<256x1024xf32>
    %reduce_min3A = arith.constant dense<0x7F800000> : vector<256xf32>
    %reduce_min3A_21 = vector.multi_reduction <minimumf>, %add3A_20, %reduce_min3A [1] : vector<256x1024xf32> to vector<256xf32>
    %broadcast_in_dim3A_22 = vector.shape_cast %reduce_min3A_21 : vector<256xf32> to vector<256x1xf32>
    %iota3A = tpu.iota {dimensions = array<i32: 1>} : vector<256x1024xi32>
    %eq3A = vector.broadcast %broadcast_in_dim3A_22 : vector<256x1xf32> to vector<256x1024xf32>
    %eq3A_23 = arith.cmpf oeq, %add3A_20, %eq3A : vector<256x1024xf32>
    %jit3A = arith.constant 1024 : i32
    %broadcast_in_dim3A_24 = vector.broadcast %jit3A : i32 to vector<256x1024xi32>
    %select_n3A = arith.select %eq3A_23, %iota3A, %broadcast_in_dim3A_24 : vector<256x1024xi1>, vector<256x1024xi32>
    %reduce_min3A_25 = arith.constant dense<2147483647> : vector<256xi32>
    %reduce_min3A_26 = vector.multi_reduction <minsi>, %select_n3A, %reduce_min3A_25 [1] : vector<256x1024xi32> to vector<256xi32>
    %broadcast_in_dim3A_27 = vector.shape_cast %reduce_min3A_26 : vector<256xi32> to vector<256x1xi32>
    %swap3A_28 = arith.constant 0 : index
    %swap3A_29 = arith.constant 0 : index
    %swap3A_30 = vector.load %arg5[%swap3A_28, %swap3A_29] : memref<2048x1xi32, #tpu.memory_space<vmem>>, vector<256x1xi32>
    tpu.vector_store %arg5[%swap3A_28, %swap3A_29], %broadcast_in_dim3A_27 {strides = array<i32>} : memref<2048x1xi32, #tpu.memory_space<vmem>>, vector<256x1xi32>,
    %get3A_31 = arith.constant 256 : index
    %get3A_32 = arith.constant 0 : index
    %get3A_33 = vector.load %arg1[%get3A_31, %get3A_32] : memref<2048x64xf32, #tpu.memory_space<vmem>>, vector<256x64xf32>
    %get3A_34 = arith.constant 256 : index
    %get3A_35 = arith.constant 0 : index
    %get3A_36 = vector.load %arg2[%get3A_34, %get3A_35] : memref<2048x128xf32, #tpu.memory_space<vmem>>, vector<256x64xf32>
    %sub3A_37 = arith.subf %get3A_33, %get3A_36 : vector<256x64xf32>
    %swap3A_38 = arith.constant 256 : index
    %swap3A_39 = arith.constant 0 : index
    %swap3A_40 = vector.load %arg6[%swap3A_38, %swap3A_39] : memref<2048x64xf32, #tpu.memory_space<vmem>>, vector<256x64xf32>
    tpu.vector_store %arg6[%swap3A_38, %swap3A_39], %sub3A_37 {strides = array<i32>} : memref<2048x64xf32, #tpu.memory_space<vmem>>, vector<256x64xf32>,
    %mul3A_41 = arith.mulf %sub3A_37, %sub3A_37 : vector<256x64xf32>
    %reduce_sum3A_42 = arith.constant dense<0.000000e+00> : vector<256xf32>
    %reduce_sum3A_43 = vector.multi_reduction <add>, %mul3A_41, %reduce_sum3A_42 [1] : vector<256x64xf32> to vector<256xf32>
    %broadcast_in_dim3A_44 = vector.shape_cast %reduce_sum3A_43 : vector<256xf32> to vector<256x1xf32>
    %mul3A_45 = arith.constant -2.000000e+00 : f32
    %mul3A_46 = vector.broadcast %mul3A_45 : f32 to vector<256x64xf32>
    %mul3A_47 = arith.mulf %mul3A_46, %sub3A_37 : vector<256x64xf32>
    %dot_general3A_48 = arith.constant dense<0.000000e+00> : vector<256x1024xf32>
    %dot_general3A_49 = tpu.matmul %mul3A_47, %get3A_1, %dot_general3A_48 {dimension_numbers = #tpu.dot_dimension_numbers<[1], [1], [0], [0], [0, 0, 1, 0], [], []>, transpose_lhs_hint = false} : vector<256x64xf32>, vector<1024x64xf32>, vector<256x1024xf32> -> vector<256x1024xf32>
    %add3A_50 = vector.broadcast %broadcast_in_dim3A_44 : vector<256x1xf32> to vector<256x1024xf32>
    %add3A_51 = vector.broadcast %get3A_4 : vector<1x1024xf32> to vector<256x1024xf32>
    %add3A_52 = arith.addf %add3A_50, %add3A_51 : vector<256x1024xf32>
    %add3A_53 = arith.addf %add3A_52, %dot_general3A_49 : vector<256x1024xf32>
    %reduce_min3A_54 = arith.constant dense<0x7F800000> : vector<256xf32>
    %reduce_min3A_55 = vector.multi_reduction <minimumf>, %add3A_53, %reduce_min3A_54 [1] : vector<256x1024xf32> to vector<256xf32>
    %broadcast_in_dim3A_56 = vector.shape_cast %reduce_min3A_55 : vector<256xf32> to vector<256x1xf32>
    %iota3A_57 = tpu.iota {dimensions = array<i32: 1>} : vector<256x1024xi32>
    %eq3A_58 = vector.broadcast %broadcast_in_dim3A_56 : vector<256x1xf32> to vector<256x1024xf32>
    %eq3A_59 = arith.cmpf oeq, %add3A_53, %eq3A_58 : vector<256x1024xf32>
    %jit3A_60 = arith.constant 1024 : i32
    %broadcast_in_dim3A_61 = vector.broadcast %jit3A_60 : i32 to vector<256x1024xi32>
    %select_n3A_62 = arith.select %eq3A_59, %iota3A_57, %broadcast_in_dim3A_61 : vector<256x1024xi1>, vector<256x1024xi32>
    %reduce_min3A_63 = arith.constant dense<2147483647> : vector<256xi32>
    %reduce_min3A_64 = vector.multi_reduction <minsi>, %select_n3A_62, %reduce_min3A_63 [1] : vector<256x1024xi32> to vector<256xi32>
    %broadcast_in_dim3A_65 = vector.shape_cast %reduce_min3A_64 : vector<256xi32> to vector<256x1xi32>
    %swap3A_66 = arith.constant 256 : index
    %swap3A_67 = arith.constant 0 : index
    %swap3A_68 = vector.load %arg5[%swap3A_66, %swap3A_67] : memref<2048x1xi32, #tpu.memory_space<vmem>>, vector<256x1xi32>
    tpu.vector_store %arg5[%swap3A_66, %swap3A_67], %broadcast_in_dim3A_65 {strides = array<i32>} : memref<2048x1xi32, #tpu.memory_space<vmem>>, vector<256x1xi32>,
    %get3A_69 = arith.constant 512 : index
    %get3A_70 = arith.constant 0 : index
    %get3A_71 = vector.load %arg1[%get3A_69, %get3A_70] : memref<2048x64xf32, #tpu.memory_space<vmem>>, vector<256x64xf32>
    %get3A_72 = arith.constant 512 : index
    %get3A_73 = arith.constant 0 : index
    %get3A_74 = vector.load %arg2[%get3A_72, %get3A_73] : memref<2048x128xf32, #tpu.memory_space<vmem>>, vector<256x64xf32>
    %sub3A_75 = arith.subf %get3A_71, %get3A_74 : vector<256x64xf32>
    %swap3A_76 = arith.constant 512 : index
    %swap3A_77 = arith.constant 0 : index
    %swap3A_78 = vector.load %arg6[%swap3A_76, %swap3A_77] : memref<2048x64xf32, #tpu.memory_space<vmem>>, vector<256x64xf32>
    tpu.vector_store %arg6[%swap3A_76, %swap3A_77], %sub3A_75 {strides = array<i32>} : memref<2048x64xf32, #tpu.memory_space<vmem>>, vector<256x64xf32>,
    %mul3A_79 = arith.mulf %sub3A_75, %sub3A_75 : vector<256x64xf32>
    %reduce_sum3A_80 = arith.constant dense<0.000000e+00> : vector<256xf32>
    %reduce_sum3A_81 = vector.multi_reduction <add>, %mul3A_79, %reduce_sum3A_80 [1] : vector<256x64xf32> to vector<256xf32>
    %broadcast_in_dim3A_82 = vector.shape_cast %reduce_sum3A_81 : vector<256xf32> to vector<256x1xf32>
    %mul3A_83 = arith.constant -2.000000e+00 : f32
    %mul3A_84 = vector.broadcast %mul3A_83 : f32 to vector<256x64xf32>
    %mul3A_85 = arith.mulf %mul3A_84, %sub3A_75 : vector<256x64xf32>
    %dot_general3A_86 = arith.constant dense<0.000000e+00> : vector<256x1024xf32>
    %dot_general3A_87 = tpu.matmul %mul3A_85, %get3A_1, %dot_general3A_86 {dimension_numbers = #tpu.dot_dimension_numbers<[1], [1], [0], [0], [0, 0, 1, 0], [], []>, transpose_lhs_hint = false} : vector<256x64xf32>, vector<1024x64xf32>, vector<256x1024xf32> -> vector<256x1024xf32>
    %add3A_88 = vector.broadcast %broadcast_in_dim3A_82 : vector<256x1xf32> to vector<256x1024xf32>
    %add3A_89 = vector.broadcast %get3A_4 : vector<1x1024xf32> to vector<256x1024xf32>
    %add3A_90 = arith.addf %add3A_88, %add3A_89 : vector<256x1024xf32>
    %add3A_91 = arith.addf %add3A_90, %dot_general3A_87 : vector<256x1024xf32>
    %reduce_min3A_92 = arith.constant dense<0x7F800000> : vector<256xf32>
    %reduce_min3A_93 = vector.multi_reduction <minimumf>, %add3A_91, %reduce_min3A_92 [1] : vector<256x1024xf32> to vector<256xf32>
    %broadcast_in_dim3A_94 = vector.shape_cast %reduce_min3A_93 : vector<256xf32> to vector<256x1xf32>
    %iota3A_95 = tpu.iota {dimensions = array<i32: 1>} : vector<256x1024xi32>
    %eq3A_96 = vector.broadcast %broadcast_in_dim3A_94 : vector<256x1xf32> to vector<256x1024xf32>
    %eq3A_97 = arith.cmpf oeq, %add3A_91, %eq3A_96 : vector<256x1024xf32>
    %jit3A_98 = arith.constant 1024 : i32
    %broadcast_in_dim3A_99 = vector.broadcast %jit3A_98 : i32 to vector<256x1024xi32>
    %select_n3A_100 = arith.select %eq3A_97, %iota3A_95, %broadcast_in_dim3A_99 : vector<256x1024xi1>, vector<256x1024xi32>
    %reduce_min3A_101 = arith.constant dense<2147483647> : vector<256xi32>
    %reduce_min3A_102 = vector.multi_reduction <minsi>, %select_n3A_100, %reduce_min3A_101 [1] : vector<256x1024xi32> to vector<256xi32>
    %broadcast_in_dim3A_103 = vector.shape_cast %reduce_min3A_102 : vector<256xi32> to vector<256x1xi32>
    %swap3A_104 = arith.constant 512 : index
    %swap3A_105 = arith.constant 0 : index
    %swap3A_106 = vector.load %arg5[%swap3A_104, %swap3A_105] : memref<2048x1xi32, #tpu.memory_space<vmem>>, vector<256x1xi32>
    tpu.vector_store %arg5[%swap3A_104, %swap3A_105], %broadcast_in_dim3A_103 {strides = array<i32>} : memref<2048x1xi32, #tpu.memory_space<vmem>>, vector<256x1xi32>,
    %get3A_107 = arith.constant 768 : index
    %get3A_108 = arith.constant 0 : index
    %get3A_109 = vector.load %arg1[%get3A_107, %get3A_108] : memref<2048x64xf32, #tpu.memory_space<vmem>>, vector<256x64xf32>
    %get3A_110 = arith.constant 768 : index
    %get3A_111 = arith.constant 0 : index
    %get3A_112 = vector.load %arg2[%get3A_110, %get3A_111] : memref<2048x128xf32, #tpu.memory_space<vmem>>, vector<256x64xf32>
    %sub3A_113 = arith.subf %get3A_109, %get3A_112 : vector<256x64xf32>
    %swap3A_114 = arith.constant 768 : index
    %swap3A_115 = arith.constant 0 : index
    %swap3A_116 = vector.load %arg6[%swap3A_114, %swap3A_115] : memref<2048x64xf32, #tpu.memory_space<vmem>>, vector<256x64xf32>
    tpu.vector_store %arg6[%swap3A_114, %swap3A_115], %sub3A_113 {strides = array<i32>} : memref<2048x64xf32, #tpu.memory_space<vmem>>, vector<256x64xf32>,
    %mul3A_117 = arith.mulf %sub3A_113, %sub3A_113 : vector<256x64xf32>
    %reduce_sum3A_118 = arith.constant dense<0.000000e+00> : vector<256xf32>
    %reduce_sum3A_119 = vector.multi_reduction <add>, %mul3A_117, %reduce_sum3A_118 [1] : vector<256x64xf32> to vector<256xf32>
    %broadcast_in_dim3A_120 = vector.shape_cast %reduce_sum3A_119 : vector<256xf32> to vector<256x1xf32>
    %mul3A_121 = arith.constant -2.000000e+00 : f32
    %mul3A_122 = vector.broadcast %mul3A_121 : f32 to vector<256x64xf32>
    %mul3A_123 = arith.mulf %mul3A_122, %sub3A_113 : vector<256x64xf32>
    %dot_general3A_124 = arith.constant dense<0.000000e+00> : vector<256x1024xf32>
    %dot_general3A_125 = tpu.matmul %mul3A_123, %get3A_1, %dot_general3A_124 {dimension_numbers = #tpu.dot_dimension_numbers<[1], [1], [0], [0], [0, 0, 1, 0], [], []>, transpose_lhs_hint = false} : vector<256x64xf32>, vector<1024x64xf32>, vector<256x1024xf32> -> vector<256x1024xf32>
    %add3A_126 = vector.broadcast %broadcast_in_dim3A_120 : vector<256x1xf32> to vector<256x1024xf32>
    %add3A_127 = vector.broadcast %get3A_4 : vector<1x1024xf32> to vector<256x1024xf32>
    %add3A_128 = arith.addf %add3A_126, %add3A_127 : vector<256x1024xf32>
    %add3A_129 = arith.addf %add3A_128, %dot_general3A_125 : vector<256x1024xf32>
    %reduce_min3A_130 = arith.constant dense<0x7F800000> : vector<256xf32>
    %reduce_min3A_131 = vector.multi_reduction <minimumf>, %add3A_129, %reduce_min3A_130 [1] : vector<256x1024xf32> to vector<256xf32>
    %broadcast_in_dim3A_132 = vector.shape_cast %reduce_min3A_131 : vector<256xf32> to vector<256x1xf32>
    %iota3A_133 = tpu.iota {dimensions = array<i32: 1>} : vector<256x1024xi32>
    %eq3A_134 = vector.broadcast %broadcast_in_dim3A_132 : vector<256x1xf32> to vector<256x1024xf32>
    %eq3A_135 = arith.cmpf oeq, %add3A_129, %eq3A_134 : vector<256x1024xf32>
    %jit3A_136 = arith.constant 1024 : i32
    %broadcast_in_dim3A_137 = vector.broadcast %jit3A_136 : i32 to vector<256x1024xi32>
    %select_n3A_138 = arith.select %eq3A_135, %iota3A_133, %broadcast_in_dim3A_137 : vector<256x1024xi1>, vector<256x1024xi32>
    %reduce_min3A_139 = arith.constant dense<2147483647> : vector<256xi32>
    %reduce_min3A_140 = vector.multi_reduction <minsi>, %select_n3A_138, %reduce_min3A_139 [1] : vector<256x1024xi32> to vector<256xi32>
    %broadcast_in_dim3A_141 = vector.shape_cast %reduce_min3A_140 : vector<256xi32> to vector<256x1xi32>
    %swap3A_142 = arith.constant 768 : index
    %swap3A_143 = arith.constant 0 : index
    %swap3A_144 = vector.load %arg5[%swap3A_142, %swap3A_143] : memref<2048x1xi32, #tpu.memory_space<vmem>>, vector<256x1xi32>
    tpu.vector_store %arg5[%swap3A_142, %swap3A_143], %broadcast_in_dim3A_141 {strides = array<i32>} : memref<2048x1xi32, #tpu.memory_space<vmem>>, vector<256x1xi32>,
    %get3A_145 = arith.constant 1024 : index
    %get3A_146 = arith.constant 0 : index
    %get3A_147 = vector.load %arg1[%get3A_145, %get3A_146] : memref<2048x64xf32, #tpu.memory_space<vmem>>, vector<256x64xf32>
    %get3A_148 = arith.constant 1024 : index
    %get3A_149 = arith.constant 0 : index
    %get3A_150 = vector.load %arg2[%get3A_148, %get3A_149] : memref<2048x128xf32, #tpu.memory_space<vmem>>, vector<256x64xf32>
    %sub3A_151 = arith.subf %get3A_147, %get3A_150 : vector<256x64xf32>
    %swap3A_152 = arith.constant 1024 : index
    %swap3A_153 = arith.constant 0 : index
    %swap3A_154 = vector.load %arg6[%swap3A_152, %swap3A_153] : memref<2048x64xf32, #tpu.memory_space<vmem>>, vector<256x64xf32>
    tpu.vector_store %arg6[%swap3A_152, %swap3A_153], %sub3A_151 {strides = array<i32>} : memref<2048x64xf32, #tpu.memory_space<vmem>>, vector<256x64xf32>,
    %mul3A_155 = arith.mulf %sub3A_151, %sub3A_151 : vector<256x64xf32>
    %reduce_sum3A_156 = arith.constant dense<0.000000e+00> : vector<256xf32>
    %reduce_sum3A_157 = vector.multi_reduction <add>, %mul3A_155, %reduce_sum3A_156 [1] : vector<256x64xf32> to vector<256xf32>
    %broadcast_in_dim3A_158 = vector.shape_cast %reduce_sum3A_157 : vector<256xf32> to vector<256x1xf32>
    %mul3A_159 = arith.constant -2.000000e+00 : f32
    %mul3A_160 = vector.broadcast %mul3A_159 : f32 to vector<256x64xf32>
    %mul3A_161 = arith.mulf %mul3A_160, %sub3A_151 : vector<256x64xf32>
    %dot_general3A_162 = arith.constant dense<0.000000e+00> : vector<256x1024xf32>
    %dot_general3A_163 = tpu.matmul %mul3A_161, %get3A_1, %dot_general3A_162 {dimension_numbers = #tpu.dot_dimension_numbers<[1], [1], [0], [0], [0, 0, 1, 0], [], []>, transpose_lhs_hint = false} : vector<256x64xf32>, vector<1024x64xf32>, vector<256x1024xf32> -> vector<256x1024xf32>
    %add3A_164 = vector.broadcast %broadcast_in_dim3A_158 : vector<256x1xf32> to vector<256x1024xf32>
    %add3A_165 = vector.broadcast %get3A_4 : vector<1x1024xf32> to vector<256x1024xf32>
    %add3A_166 = arith.addf %add3A_164, %add3A_165 : vector<256x1024xf32>
    %add3A_167 = arith.addf %add3A_166, %dot_general3A_163 : vector<256x1024xf32>
    %reduce_min3A_168 = arith.constant dense<0x7F800000> : vector<256xf32>
    %reduce_min3A_169 = vector.multi_reduction <minimumf>, %add3A_167, %reduce_min3A_168 [1] : vector<256x1024xf32> to vector<256xf32>
    %broadcast_in_dim3A_170 = vector.shape_cast %reduce_min3A_169 : vector<256xf32> to vector<256x1xf32>
    %iota3A_171 = tpu.iota {dimensions = array<i32: 1>} : vector<256x1024xi32>
    %eq3A_172 = vector.broadcast %broadcast_in_dim3A_170 : vector<256x1xf32> to vector<256x1024xf32>
    %eq3A_173 = arith.cmpf oeq, %add3A_167, %eq3A_172 : vector<256x1024xf32>
    %jit3A_174 = arith.constant 1024 : i32
    %broadcast_in_dim3A_175 = vector.broadcast %jit3A_174 : i32 to vector<256x1024xi32>
    %select_n3A_176 = arith.select %eq3A_173, %iota3A_171, %broadcast_in_dim3A_175 : vector<256x1024xi1>, vector<256x1024xi32>
    %reduce_min3A_177 = arith.constant dense<2147483647> : vector<256xi32>
    %reduce_min3A_178 = vector.multi_reduction <minsi>, %select_n3A_176, %reduce_min3A_177 [1] : vector<256x1024xi32> to vector<256xi32>
    %broadcast_in_dim3A_179 = vector.shape_cast %reduce_min3A_178 : vector<256xi32> to vector<256x1xi32>
    %swap3A_180 = arith.constant 1024 : index
    %swap3A_181 = arith.constant 0 : index
    %swap3A_182 = vector.load %arg5[%swap3A_180, %swap3A_181] : memref<2048x1xi32, #tpu.memory_space<vmem>>, vector<256x1xi32>
    tpu.vector_store %arg5[%swap3A_180, %swap3A_181], %broadcast_in_dim3A_179 {strides = array<i32>} : memref<2048x1xi32, #tpu.memory_space<vmem>>, vector<256x1xi32>,
    %get3A_183 = arith.constant 1280 : index
    %get3A_184 = arith.constant 0 : index
    %get3A_185 = vector.load %arg1[%get3A_183, %get3A_184] : memref<2048x64xf32, #tpu.memory_space<vmem>>, vector<256x64xf32>
    %get3A_186 = arith.constant 1280 : index
    %get3A_187 = arith.constant 0 : index
    %get3A_188 = vector.load %arg2[%get3A_186, %get3A_187] : memref<2048x128xf32, #tpu.memory_space<vmem>>, vector<256x64xf32>
    %sub3A_189 = arith.subf %get3A_185, %get3A_188 : vector<256x64xf32>
    %swap3A_190 = arith.constant 1280 : index
    %swap3A_191 = arith.constant 0 : index
    %swap3A_192 = vector.load %arg6[%swap3A_190, %swap3A_191] : memref<2048x64xf32, #tpu.memory_space<vmem>>, vector<256x64xf32>
    tpu.vector_store %arg6[%swap3A_190, %swap3A_191], %sub3A_189 {strides = array<i32>} : memref<2048x64xf32, #tpu.memory_space<vmem>>, vector<256x64xf32>,
    %mul3A_193 = arith.mulf %sub3A_189, %sub3A_189 : vector<256x64xf32>
    %reduce_sum3A_194 = arith.constant dense<0.000000e+00> : vector<256xf32>
    %reduce_sum3A_195 = vector.multi_reduction <add>, %mul3A_193, %reduce_sum3A_194 [1] : vector<256x64xf32> to vector<256xf32>
    %broadcast_in_dim3A_196 = vector.shape_cast %reduce_sum3A_195 : vector<256xf32> to vector<256x1xf32>
    %mul3A_197 = arith.constant -2.000000e+00 : f32
    %mul3A_198 = vector.broadcast %mul3A_197 : f32 to vector<256x64xf32>
    %mul3A_199 = arith.mulf %mul3A_198, %sub3A_189 : vector<256x64xf32>
    %dot_general3A_200 = arith.constant dense<0.000000e+00> : vector<256x1024xf32>
    %dot_general3A_201 = tpu.matmul %mul3A_199, %get3A_1, %dot_general3A_200 {dimension_numbers = #tpu.dot_dimension_numbers<[1], [1], [0], [0], [0, 0, 1, 0], [], []>, transpose_lhs_hint = false} : vector<256x64xf32>, vector<1024x64xf32>, vector<256x1024xf32> -> vector<256x1024xf32>
    %add3A_202 = vector.broadcast %broadcast_in_dim3A_196 : vector<256x1xf32> to vector<256x1024xf32>
    %add3A_203 = vector.broadcast %get3A_4 : vector<1x1024xf32> to vector<256x1024xf32>
    %add3A_204 = arith.addf %add3A_202, %add3A_203 : vector<256x1024xf32>
    %add3A_205 = arith.addf %add3A_204, %dot_general3A_201 : vector<256x1024xf32>
    %reduce_min3A_206 = arith.constant dense<0x7F800000> : vector<256xf32>
    %reduce_min3A_207 = vector.multi_reduction <minimumf>, %add3A_205, %reduce_min3A_206 [1] : vector<256x1024xf32> to vector<256xf32>
    %broadcast_in_dim3A_208 = vector.shape_cast %reduce_min3A_207 : vector<256xf32> to vector<256x1xf32>
    %iota3A_209 = tpu.iota {dimensions = array<i32: 1>} : vector<256x1024xi32>
    %eq3A_210 = vector.broadcast %broadcast_in_dim3A_208 : vector<256x1xf32> to vector<256x1024xf32>
    %eq3A_211 = arith.cmpf oeq, %add3A_205, %eq3A_210 : vector<256x1024xf32>
    %jit3A_212 = arith.constant 1024 : i32
    %broadcast_in_dim3A_213 = vector.broadcast %jit3A_212 : i32 to vector<256x1024xi32>
    %select_n3A_214 = arith.select %eq3A_211, %iota3A_209, %broadcast_in_dim3A_213 : vector<256x1024xi1>, vector<256x1024xi32>
    %reduce_min3A_215 = arith.constant dense<2147483647> : vector<256xi32>
    %reduce_min3A_216 = vector.multi_reduction <minsi>, %select_n3A_214, %reduce_min3A_215 [1] : vector<256x1024xi32> to vector<256xi32>
    %broadcast_in_dim3A_217 = vector.shape_cast %reduce_min3A_216 : vector<256xi32> to vector<256x1xi32>
    %swap3A_218 = arith.constant 1280 : index
    %swap3A_219 = arith.constant 0 : index
    %swap3A_220 = vector.load %arg5[%swap3A_218, %swap3A_219] : memref<2048x1xi32, #tpu.memory_space<vmem>>, vector<256x1xi32>
    tpu.vector_store %arg5[%swap3A_218, %swap3A_219], %broadcast_in_dim3A_217 {strides = array<i32>} : memref<2048x1xi32, #tpu.memory_space<vmem>>, vector<256x1xi32>,
    %get3A_221 = arith.constant 1536 : index
    %get3A_222 = arith.constant 0 : index
    %get3A_223 = vector.load %arg1[%get3A_221, %get3A_222] : memref<2048x64xf32, #tpu.memory_space<vmem>>, vector<256x64xf32>
    %get3A_224 = arith.constant 1536 : index
    %get3A_225 = arith.constant 0 : index
    %get3A_226 = vector.load %arg2[%get3A_224, %get3A_225] : memref<2048x128xf32, #tpu.memory_space<vmem>>, vector<256x64xf32>
    %sub3A_227 = arith.subf %get3A_223, %get3A_226 : vector<256x64xf32>
    %swap3A_228 = arith.constant 1536 : index
    %swap3A_229 = arith.constant 0 : index
    %swap3A_230 = vector.load %arg6[%swap3A_228, %swap3A_229] : memref<2048x64xf32, #tpu.memory_space<vmem>>, vector<256x64xf32>
    tpu.vector_store %arg6[%swap3A_228, %swap3A_229], %sub3A_227 {strides = array<i32>} : memref<2048x64xf32, #tpu.memory_space<vmem>>, vector<256x64xf32>,
    %mul3A_231 = arith.mulf %sub3A_227, %sub3A_227 : vector<256x64xf32>
    %reduce_sum3A_232 = arith.constant dense<0.000000e+00> : vector<256xf32>
    %reduce_sum3A_233 = vector.multi_reduction <add>, %mul3A_231, %reduce_sum3A_232 [1] : vector<256x64xf32> to vector<256xf32>
    %broadcast_in_dim3A_234 = vector.shape_cast %reduce_sum3A_233 : vector<256xf32> to vector<256x1xf32>
    %mul3A_235 = arith.constant -2.000000e+00 : f32
    %mul3A_236 = vector.broadcast %mul3A_235 : f32 to vector<256x64xf32>
    %mul3A_237 = arith.mulf %mul3A_236, %sub3A_227 : vector<256x64xf32>
    %dot_general3A_238 = arith.constant dense<0.000000e+00> : vector<256x1024xf32>
    %dot_general3A_239 = tpu.matmul %mul3A_237, %get3A_1, %dot_general3A_238 {dimension_numbers = #tpu.dot_dimension_numbers<[1], [1], [0], [0], [0, 0, 1, 0], [], []>, transpose_lhs_hint = false} : vector<256x64xf32>, vector<1024x64xf32>, vector<256x1024xf32> -> vector<256x1024xf32>
    %add3A_240 = vector.broadcast %broadcast_in_dim3A_234 : vector<256x1xf32> to vector<256x1024xf32>
    %add3A_241 = vector.broadcast %get3A_4 : vector<1x1024xf32> to vector<256x1024xf32>
    %add3A_242 = arith.addf %add3A_240, %add3A_241 : vector<256x1024xf32>
    %add3A_243 = arith.addf %add3A_242, %dot_general3A_239 : vector<256x1024xf32>
    %reduce_min3A_244 = arith.constant dense<0x7F800000> : vector<256xf32>
    %reduce_min3A_245 = vector.multi_reduction <minimumf>, %add3A_243, %reduce_min3A_244 [1] : vector<256x1024xf32> to vector<256xf32>
    %broadcast_in_dim3A_246 = vector.shape_cast %reduce_min3A_245 : vector<256xf32> to vector<256x1xf32>
    %iota3A_247 = tpu.iota {dimensions = array<i32: 1>} : vector<256x1024xi32>
    %eq3A_248 = vector.broadcast %broadcast_in_dim3A_246 : vector<256x1xf32> to vector<256x1024xf32>
    %eq3A_249 = arith.cmpf oeq, %add3A_243, %eq3A_248 : vector<256x1024xf32>
    %jit3A_250 = arith.constant 1024 : i32
    %broadcast_in_dim3A_251 = vector.broadcast %jit3A_250 : i32 to vector<256x1024xi32>
    %select_n3A_252 = arith.select %eq3A_249, %iota3A_247, %broadcast_in_dim3A_251 : vector<256x1024xi1>, vector<256x1024xi32>
    %reduce_min3A_253 = arith.constant dense<2147483647> : vector<256xi32>
    %reduce_min3A_254 = vector.multi_reduction <minsi>, %select_n3A_252, %reduce_min3A_253 [1] : vector<256x1024xi32> to vector<256xi32>
    %broadcast_in_dim3A_255 = vector.shape_cast %reduce_min3A_254 : vector<256xi32> to vector<256x1xi32>
    %swap3A_256 = arith.constant 1536 : index
    %swap3A_257 = arith.constant 0 : index
    %swap3A_258 = vector.load %arg5[%swap3A_256, %swap3A_257] : memref<2048x1xi32, #tpu.memory_space<vmem>>, vector<256x1xi32>
    tpu.vector_store %arg5[%swap3A_256, %swap3A_257], %broadcast_in_dim3A_255 {strides = array<i32>} : memref<2048x1xi32, #tpu.memory_space<vmem>>, vector<256x1xi32>,
    %get3A_259 = arith.constant 1792 : index
    %get3A_260 = arith.constant 0 : index
    %get3A_261 = vector.load %arg1[%get3A_259, %get3A_260] : memref<2048x64xf32, #tpu.memory_space<vmem>>, vector<256x64xf32>
    %get3A_262 = arith.constant 1792 : index
    %get3A_263 = arith.constant 0 : index
    %get3A_264 = vector.load %arg2[%get3A_262, %get3A_263] : memref<2048x128xf32, #tpu.memory_space<vmem>>, vector<256x64xf32>
    %sub3A_265 = arith.subf %get3A_261, %get3A_264 : vector<256x64xf32>
    %swap3A_266 = arith.constant 1792 : index
    %swap3A_267 = arith.constant 0 : index
    %swap3A_268 = vector.load %arg6[%swap3A_266, %swap3A_267] : memref<2048x64xf32, #tpu.memory_space<vmem>>, vector<256x64xf32>
    tpu.vector_store %arg6[%swap3A_266, %swap3A_267], %sub3A_265 {strides = array<i32>} : memref<2048x64xf32, #tpu.memory_space<vmem>>, vector<256x64xf32>,
    %mul3A_269 = arith.mulf %sub3A_265, %sub3A_265 : vector<256x64xf32>
    %reduce_sum3A_270 = arith.constant dense<0.000000e+00> : vector<256xf32>
    %reduce_sum3A_271 = vector.multi_reduction <add>, %mul3A_269, %reduce_sum3A_270 [1] : vector<256x64xf32> to vector<256xf32>
    %broadcast_in_dim3A_272 = vector.shape_cast %reduce_sum3A_271 : vector<256xf32> to vector<256x1xf32>
    %mul3A_273 = arith.constant -2.000000e+00 : f32
    %mul3A_274 = vector.broadcast %mul3A_273 : f32 to vector<256x64xf32>
    %mul3A_275 = arith.mulf %mul3A_274, %sub3A_265 : vector<256x64xf32>
    %dot_general3A_276 = arith.constant dense<0.000000e+00> : vector<256x1024xf32>
    %dot_general3A_277 = tpu.matmul %mul3A_275, %get3A_1, %dot_general3A_276 {dimension_numbers = #tpu.dot_dimension_numbers<[1], [1], [0], [0], [0, 0, 1, 0], [], []>, transpose_lhs_hint = false} : vector<256x64xf32>, vector<1024x64xf32>, vector<256x1024xf32> -> vector<256x1024xf32>
    %add3A_278 = vector.broadcast %broadcast_in_dim3A_272 : vector<256x1xf32> to vector<256x1024xf32>
    %add3A_279 = vector.broadcast %get3A_4 : vector<1x1024xf32> to vector<256x1024xf32>
    %add3A_280 = arith.addf %add3A_278, %add3A_279 : vector<256x1024xf32>
    %add3A_281 = arith.addf %add3A_280, %dot_general3A_277 : vector<256x1024xf32>
    %reduce_min3A_282 = arith.constant dense<0x7F800000> : vector<256xf32>
    %reduce_min3A_283 = vector.multi_reduction <minimumf>, %add3A_281, %reduce_min3A_282 [1] : vector<256x1024xf32> to vector<256xf32>
    %broadcast_in_dim3A_284 = vector.shape_cast %reduce_min3A_283 : vector<256xf32> to vector<256x1xf32>
    %iota3A_285 = tpu.iota {dimensions = array<i32: 1>} : vector<256x1024xi32>
    %eq3A_286 = vector.broadcast %broadcast_in_dim3A_284 : vector<256x1xf32> to vector<256x1024xf32>
    %eq3A_287 = arith.cmpf oeq, %add3A_281, %eq3A_286 : vector<256x1024xf32>
    %jit3A_288 = arith.constant 1024 : i32
    %broadcast_in_dim3A_289 = vector.broadcast %jit3A_288 : i32 to vector<256x1024xi32>
    %select_n3A_290 = arith.select %eq3A_287, %iota3A_285, %broadcast_in_dim3A_289 : vector<256x1024xi1>, vector<256x1024xi32>
    %reduce_min3A_291 = arith.constant dense<2147483647> : vector<256xi32>
    %reduce_min3A_292 = vector.multi_reduction <minsi>, %select_n3A_290, %reduce_min3A_291 [1] : vector<256x1024xi32> to vector<256xi32>
    %broadcast_in_dim3A_293 = vector.shape_cast %reduce_min3A_292 : vector<256xi32> to vector<256x1xi32>
    %swap3A_294 = arith.constant 1792 : index
    %swap3A_295 = arith.constant 0 : index
    %swap3A_296 = vector.load %arg5[%swap3A_294, %swap3A_295] : memref<2048x1xi32, #tpu.memory_space<vmem>>, vector<256x1xi32>
    tpu.vector_store %arg5[%swap3A_294, %swap3A_295], %broadcast_in_dim3A_293 {strides = array<i32>} : memref<2048x1xi32, #tpu.memory_space<vmem>>, vector<256x1xi32>,
    return
  }
  func.func @transform_0(%arg0: i32) -> (i32, i32) {
    %c0_i32 = arith.constant 0 : i32
    %c0_i32_0 = arith.constant 0 : i32
    return %arg0, %c0_i32 : i32, i32
  }
  func.func @transform_1(%arg0: i32) -> (i32, i32) {
    %c0_i32 = arith.constant 0 : i32
    %c0_i32_0 = arith.constant 0 : i32
    return %arg0, %c0_i32 : i32, i32
  }
  func.func @transform_2(%arg0: i32) -> (i32, i32) {
    %c0_i32 = arith.constant 0 : i32
    %c0_i32_0 = arith.constant 0 : i32
    %c0_i32_1 = arith.constant 0 : i32
    return %c0_i32, %c0_i32_0 : i32, i32
  }
  func.func @transform_3(%arg0: i32) -> (i32, i32) {
    %c0_i32 = arith.constant 0 : i32
    %c0_i32_0 = arith.constant 0 : i32
    %c0_i32_1 = arith.constant 0 : i32
    return %c0_i32, %c0_i32_0 : i32, i32
  }
  func.func @transform_4(%arg0: i32) -> (i32, i32) {
    %c0_i32 = arith.constant 0 : i32
    %c0_i32_0 = arith.constant 0 : i32
    return %arg0, %c0_i32 : i32, i32
  }
  func.func @transform_5(%arg0: i32) -> (i32, i32) {
    %c0_i32 = arith.constant 0 : i32
    %c0_i32_0 = arith.constant 0 : i32
    return %arg0, %c0_i32 : i32, i32
  }
}

</mosaic_0001>

<sc_bundles>
// kernel: kernel.12.cloned.1.call-start
scs
__scs_entry_jumppad:
0x0: {  	(pc) =	sbr.rel $0x88, $3  }
0x1: {  	(tag) =	ssettag $0x0;
	lr =	simm.s32 $0x1  }
0x2: {  	[smem:$0x3F9F] =	sst lr;
	_ =	strace $0xD0000000  }
0x3: {  	_ = 	snop  }
0x4: {  	_ = 	snop  }
0x5: {  	_ = 	snop  }
0x6: {  	_ = 	snop  }
0x7: {  	_ = 	snop  }
__scs_overlays_trampoline_lowered:
0x8: {  	[smem:$0x3FAE] =	sst s0  }
0x9: {  	[smem:$0x3FAF] =	sst s1  }
0xa: {  	[smem:$0x3FB0] =	sst s2  }
0xb: {  	[smem:$0x3FB1] =	sst s3  }
0xc: {  	[smem:$0x3FB2] =	sst s4  }
0xd: {  	[smem:$0x3FB3] =	sst s5  }
0xe: {  	[smem:$0x3FB4] =	sst s6  }
0xf: {  	[smem:$0x3FB5] =	sst s7  }
0x10: {  	[smem:$0x3FB6] =	sst s8  }
0x11: {  	[smem:$0x3FB7] =	sst s9;
	s0 =	simm.s32 @!p0 $0x0  }
0x12: {  	s1 =	sld [smem:$0x3F9D];
	s0 =	simm.s32 @p0 $0x1  }
0x13: {  	[smem:$0x3FB8] =	sst s0;
	s0 =	simm.s32 @!p1 $0x0  }
0x14: {  	s2 =	sld [smem:$0x3F9C];
	s0 =	simm.s32 @p1 $0x1  }
0x15: {  	[smem:$0x3FB9] =	sst s0;
	s0 =	simm.s32 @!p2 $0x0  }
0x16: {  	s3 =	sld [smem:$0x3FDB];
	s0 =	simm.s32 @p2 $0x1  }
0x17: {  	s4 =	simm.s32 $0x1BF5;
	[smem:$0x3FBB] =	sst s0  }
0x18: {  	s0 =	sld [smem:$0x3F9E];
	_ =	swait.ge [sflag:s4], $0x0  }
0x19: {  	s7 =	sld [smem:$0x3F9F]  }
0x1a: {  	s8 =	sadd.s32 $0xFFFFE003, lr  }
0x1b: {  	s9 =	sadd.s32 $0xFFFFFEF7, lr;
	s5 =	simm.s32 $0xFFFFFFFF;
	p2 =	slt.u32 s8, $0xFFFFF086  }
0x1c: {  	p1 =	slt.u32 s9, $0xF7A;
	s5 =	simm.s32 @!p2 $0x0  }
0x1d: {  	s5 =	simm.s32 @p1 $0x1;
	p0 =	seq.s32 s7, s2  }
0x1e: {  	s7 =	smul.u32 @!p0 $0xF7A, s2;
	p2 =	seq.s32 @!p0 s5, $0x0  }
0x1f: {  	s9 =	smul.u32 $0xF7A, s1;
	s8 =	simm.s32 @!p0 $0x1BF5;
	p2 =	por !p2, p0  }
0x20: {  	[sflag:s8] =	ssyncset.s32 @!p0 $0xFFFFF086;
	s6 =	sadd.s32 @!p0 s3, s7;
	s7 =	simm.s32 @!p0 $0x108  }
0x21: {  	s3 =	sadd.s32 s3, s9;
	s6 =	sadd.s32 @!p0 $0x88, s6;
	s7 =	simm.s32 @p2 $0x1082  }
0x22: {  	[simem:s7], [sflag:s8] =	dma.local @!p0 [hbm:s6], $0xF7A  }
0x23: {  	s9 =	sor.u32 $0xD0000000, s2;
	s6 =	simm.s32 $0x108;
	_ =	swait.ge @!p0 [sflag:s8], $0x0  }
0x24: {  	s3 =	sadd.s32 $0x88, s3;
	s6 =	simm.s32 @!p1 $0x1082;
	[sflag:s4] =	ssyncset.s32 $0xFFFFF086  }
0x25: {  	[simem:s6], [sflag:s4] =	dma.local [hbm:s3], $0xF7A  }
0x26: {  	[smem:$0x3F9F] =	sst s1;
	(tag) =	ssettag s2;
	_ =	strace s9  }
0x27: {  	s1 =	sld [smem:$0x3FAF]  }
0x28: {  	s2 =	sld [smem:$0x3FB0]  }
0x29: {  	s4 =	sld [smem:$0x3FB2]  }
0x2a: {  	p0 =	seq.s32 s5, $0x0;
	s5 =	sld [smem:$0x3FB3]  }
0x2b: {  	s6 =	sld [smem:$0x3FB4]  }
0x2c: {  	s7 =	sld [smem:$0x3FB5]  }
0x2d: {  	s3 =	simm.s32 $0x108;
	s8 =	sld [smem:$0x3FB6]  }
0x2e: {  	s3 =	simm.s32 @!p0 $0x1082;
	s9 =	sld [smem:$0x3FB7]  }
0x2f: {  	lr =	sadd.s32 s0, s3;
	s0 =	sld [smem:$0x3FAE]  }
0x30: {  	s3 =	sld [smem:$0x3FB1]  }
0x31: {  	[smem:$0x3FBA] =	sst s10  }
0x32: {  	s10 =	sld [smem:$0x3FB8];
	_ =	sdelay $0x3  }
0x33: {  	p0 =	seq.s32 s10, $0x1;
	s10 =	sld [smem:$0x3FBA];
	_ =	sdelay $0x3  }
0x34: {  	[smem:$0x3FBA] =	sst s10  }
0x35: {  	s10 =	sld [smem:$0x3FB9];
	_ =	sdelay $0x3  }
0x36: {  	p1 =	seq.s32 s10, $0x1;
	s10 =	sld [smem:$0x3FBA];
	_ =	sdelay $0x3  }
0x37: {  	[smem:$0x3FBA] =	sst s10  }
0x38: {  	s10 =	sld [smem:$0x3FBB]  }
0x39: {  	_ = 	snop;
	(pc) =	sbr.ind lr, $3  }
0x3a: {  	_ = 	snop  }
0x3b: {  	_ = 	snop  }
0x3c: {  	p2 =	seq.s32 s10, $0x1;
	s10 =	sld [smem:$0x3FBA]  }
0x3d: {  	_ =	shalt  }
0x3e: {  	_ =	shalt  }
0x3f: {  	_ =	shalt  }
0x40: {  	_ =	shalt  }
0x41: {  	_ =	shalt  }
0x42: {  	_ =	shalt  }
0x43: {  	_ =	shalt  }
0x44: {  	_ =	shalt  }
0x45: {  	_ =	shalt  }
0x46: {  	_ =	shalt  }
0x47: {  	_ =	shalt  }
0x48: {  	_ =	shalt  }
0x49: {  	_ =	shalt  }
0x4a: {  	_ =	shalt  }
0x4b: {  	_ =	shalt  }
0x4c: {  	_ =	shalt  }
0x4d: {  	_ =	shalt  }
0x4e: {  	_ =	shalt  }
0x4f: {  	_ =	shalt  }
0x50: {  	_ =	shalt  }
0x51: {  	_ =	shalt  }
0x52: {  	_ =	shalt  }
0x53: {  	_ =	shalt  }
0x54: {  	_ =	shalt  }
0x55: {  	_ =	shalt  }
0x56: {  	_ =	shalt  }
0x57: {  	_ =	shalt  }
0x58: {  	_ =	shalt  }
0x59: {  	_ =	shalt  }
0x5a: {  	_ =	shalt  }
0x5b: {  	_ =	shalt  }
0x5c: {  	_ =	shalt  }
0x5d: {  	_ =	shalt  }
0x5e: {  	_ =	shalt  }
0x5f: {  	_ =	shalt  }
0x60: {  	_ =	shalt  }
0x61: {  	_ =	shalt  }
0x62: {  	_ =	shalt  }
0x63: {  	_ =	shalt  }
0x64: {  	_ =	shalt  }
0x65: {  	_ =	shalt  }
0x66: {  	_ =	shalt  }
0x67: {  	_ =	shalt  }
0x68: {  	_ =	shalt  }
0x69: {  	_ =	shalt  }
0x6a: {  	_ =	shalt  }
0x6b: {  	_ =	shalt  }
0x6c: {  	_ =	shalt  }
0x6d: {  	_ =	shalt  }
0x6e: {  	_ =	shalt  }
0x6f: {  	_ =	shalt  }
0x70: {  	_ =	shalt  }
0x71: {  	_ =	shalt  }
0x72: {  	_ =	shalt  }
0x73: {  	_ =	shalt  }
0x74: {  	_ =	shalt  }
0x75: {  	_ =	shalt  }
0x76: {  	_ =	shalt  }
0x77: {  	_ =	shalt  }
0x78: {  	_ =	shalt  }
0x79: {  	_ =	shalt  }
0x7a: {  	_ =	shalt  }
0x7b: {  	_ =	shalt  }
0x7c: {  	_ =	shalt  }
0x7d: {  	_ =	shalt  }
0x7e: {  	_ =	shalt  }
0x7f: {  	_ =	shalt  }
0x80: {  	_ =	shalt  }
0x81: {  	_ =	shalt  }
0x82: {  	_ =	shalt  }
0x83: {  	_ =	shalt  }
0x84: {  	_ =	shalt  }
0x85: {  	_ =	shalt  }
0x86: {  	_ =	shalt  }
0x87: {  	_ =	shalt  }
.Lfunc_end0:
.L_simem_size_0:
called_computation.1_lowered:
.L_overlay_start_0:
0x88: {  	s2 =	sld [smem:$0x3FD9]  }
0x89: {  	s3 =	sld [smem:$0x3FFE];
	_ =	sdelay $0x1  }
0x8a: {  	s1 =	srdreg.scid  }
0x8b: {  	s0 =	sand.u32 $0x1, s1  }
0x8c: {  	s16 =	sshll.u32 s0, $0xA;
	s2 =	sadd.s32 s3, s2  }
0x8d: {  	s2 =	sadd.s32 s2, s16  }
0x8e: {  	[smem:$0x3FC6] =	sst s2  }
0x8f: {  	_ = 	snop  }
0x90: {  	(tm) =	ssettm $0x1  }
0x91: {  	s17 =	sld [smem:$0x3FFB];
	_ =	sdelay $0x3  }
0x92: {  	_ =	strace s17  }
0x93: {  	s2 =	sld [smem:$0x3FFC];
	_ =	sdelay $0x3  }
0x94: {  	_ =	strace s2  }
0x95: {  	s2 =	sld [smem:$0x3FFD];
	_ =	sdelay $0x3  }
0x96: {  	_ =	strace s2  }
0x97: {  	_ =	strace $0x8FFFFFFF  }
0x98: {  	s18 =	sld [smem:$0x3FDB];
	_ =	sdelay $0x1  }
0x99: {  	s19 =	simm.s32 $_scs_section_size  }
0x9a: {  	s4 =	simm.s32 $_size__tile_overlayer_lowered;
	s5 =	simm.s32 $_tile_overlayer_lowered  }
0x9b: {  	s22 =	simm.s32 $0x1BFF;
	s21 =	sshll.u32 s5, $0x1;
	s2 =	sadd.s32 s19, s18  }
0x9c: {  	s6 =	simm.s32 $0x0;
	s20 =	sshll.u32 s4, $0x1;
	s4 =	sadd.s32 s21, s2  }
0x9d: {  	[timem:s6], [sflag:s22] =	dma.local [hbm:s4], s20  }
0x9e: {  	_ =	swait.ge [sflag:s22], s20  }
0x9f: {  	s3 =	ssub.s32 $0x0, s20;
	[sflag:s22] =	ssyncset.done $0x0  }
0xa0: {  	[sflag:s22] =	ssyncadd.s32 s3;
	_ =	sdelay $0x1  }
0xa1: {  	s23 =	simm.s32 $0x1B8B  }
0xa2: {  	_ =	swait.ge [sflag:s23], $0x1  }
0xa3: {  	[sflag:s23] =	ssyncset.done $0x0  }
0xa4: {  	s25 =	simm.s32 $0x1B8E;
	s24 =	sld [smem:$0x3FFE];
	[sflag:s23] =	ssyncadd.s32 $0xFFFFFFFF  }
0xa5: {  	s26 =	simm.s32 $execute0_lowered;
	[smem:$0x3FD2] =	sst s25  }
0xa6: {  	s4 =	sshll.u32 s26, $0x1;
	_ =	strace $0x80000049;
	[dreg:$0x1] =	wrdreg $0xFFFFFFFF  }
0xa7: {  	s28 =	simm.s32 $_size_execute0_lowered;
	s2 =	sadd.s32 s2, s4;
	[dreg:$0x0] =	wrdreg $0x0  }
0xa8: {  	s4 =	sshll.u32 s28, $0x1;
	[dreg:$0x2] =	wrdreg s2  }
0xa9: {  	[dreg:$0x3] =	wrdreg s4  }
0xaa: {  	[dreg:$0x4] =	wrdreg $0xC0  }
0xab: {  	_ =	task [dreg:s6], $0x5FFFF  }
0xac: {  	[dreg:$0x1] =	wrdreg $0xFFFFFFFF  }
0xad: {  	[dreg:$0x0] =	wrdreg $0x60  }
0xae: {  	[dreg:$0x2] =	wrdreg s24  }
0xaf: {  	[dreg:$0x3] =	wrdreg $0x9  }
0xb0: {  	_ =	task.clear_ibuf [dreg:s6], $0x4FFFF;
	_ =	strace $0x90000049  }
0xb1: {  	s29 =	simm.s32 $0x9;
	_ =	strace $0x8000004B  }
0xb2: {  	_ =	swait.ge [sflag:s29], $0x1  }
0xb3: {  	[sflag:s29] =	ssyncadd.s32 $0xFFFFFFFF  }
0xb4: {  	_ =	strace $0x9000004B  }
0xb5: {  	_ =	sfence  }
0xb6: {  	s30 =	sld [smem:$0x0];
	_ =	sdelay $0x2  }
0xb7: {  	s31 =	sshll.u32 s1, $0xD;
	s1 =	sshrl.u32 s1, $0x2  }
0xb8: {  	s3 =	sand.u32 $0x4000, s31;
	s1 =	sadd.s32 s1, s30  }
0xb9: {  	s0 =	sor.u32 s3, s0;
	s1 =	sshll.u32 s1, $0x11  }
0xba: {  	s0 =	sor.u32 s1, s0  }
0xbb: {  	s0 =	sadd.s32 $0x8F2B, s0  }
0xbc: {  	[sflag:s0] =	ssyncadd.remote.s32 $0x1  }
0xbd: {  	_ =	sfence.sel $0xFFFF  }
0xbe: {  	[dreg:$0x0] =	wrdreg $0xFFFFFFFF;
	(pc) =	sbr.abs _section_cstart, $3  }
0xbf: {  	[dreg:$0x1] =	wrdreg $0xFFFFFFFF  }
0xc0: {  	_ =	task.clear_ibuf [dreg:s6], $0x2FFFF;
	_ =	strace $0x9FFFFFFF  }
0xc1: {  	(tm) =	ssettm $0x7FFFFFFF  }
tec
execute0_lowered:
.L_overlay_start_1:
0x0: {  	(tag) =	ssettag $0x1  }
0x1: {  	s1 =	srdreg.scid  }
0x2: {  	s0 =	stileid.u32;
	s14 =	sand.u32 $0x1, s1  }
0x3: {  	s8 =	rddreg [dreg:$0x0];
	s3 =	sshll.u32 s0, $0xC;
	s4 =	sshll.u32 s14, $0xB  }
0x4: {  	s2 =	simm.s32 $0x0;
	s1 =	rddreg [dreg:$0x1];
	s13 =	sor.u32 s4, s3  }
0x5: {  	[smem:$0x7FF] =	sst s2;
	s15 =	sadd.s32 $0x600, s8;
	s3 =	sshrl.u32 s13, $0x3  }
0x6: {  	_ =	strace $0x8000004A;
	s4 =	sadd.s32 s15, s3;
	s3 =	simm.s32 $0x2  }
0x7: {  	[tilespmem:s2], [sflag:$0x2] =	stream.linear.gather [hbm4b:s4+s2], $0x200, $0x38;
	[tilespmem:$0x10200] =	vst v63  }
0x8: {  	_ =	swait.ge [sflag:s3], $0x200  }
0x9: {  	s6 =	simm.s32 $0x200;
	[sflag:s3] =	ssyncset.done $0x0  }
0xa: {  	s7 =	simm.s32 $0x1;
	s5 =	sadd.s32 $0x4600, s8;
	[sflag:s3] =	ssyncadd.s32 $0xFFFFFE00  }
0xb: {  	[tilespmem:s6], [sflag:$0x1] =	stream.indirect.gather [hbm4b:s5+s6], $0x80, s2, s6, $0xb8;
	[tilespmem:$0x10200] =	vst v63  }
0xc: {  	_ =	swait.ge [sflag:s7], $0x10000  }
0xd: {  	s16 =	sadd.s32 $0xC800, s8;
	s29 =	sshll.u32 s13, $0x4;
	[sflag:s7] =	ssyncset.done $0x0  }
0xe: {  	s8 =	sadd.s32 s16, s29;
	[sflag:s7] =	ssyncadd.s32 $0xFFFF0000  }
0xf: {  	[hbm4b:s8+s2] =	stream.linear.scatter [tilespmem:s6], [sflag:$0x2], $0x10000, $0x38;
	[tilespmem:$0x10200] =	vst v63  }
0x10: {  	s10 =	sor.u32 $0x200, s13;
	_ =	swait.ge [sflag:s3], $0x10000  }
0x11: {  	s9 =	sshrl.u32 s10, $0x3;
	[sflag:s3] =	ssyncset.done $0x0  }
0x12: {  	s9 =	sadd.s32 s15, s9;
	[sflag:s3] =	ssyncadd.s32 $0xFFFF0000  }
0x13: {  	[tilespmem:s2], [sflag:$0x2] =	stream.linear.gather [hbm4b:s9+s2], $0x200, $0x38;
	[tilespmem:$0x10200] =	vst v63  }
0x14: {  	_ =	swait.ge [sflag:s3], $0x200  }
0x15: {  	[sflag:s3] =	ssyncset.done $0x0  }
0x16: {  	[sflag:s3] =	ssyncadd.s32 $0xFFFFFE00  }
0x17: {  	[tilespmem:s6], [sflag:$0x1] =	stream.indirect.gather [hbm4b:s5+s6], $0x80, s2, s6, $0xb8;
	[tilespmem:$0x10200] =	vst v63  }
0x18: {  	_ =	swait.ge [sflag:s7], $0x10000  }
0x19: {  	s10 =	sshll.u32 s10, $0x4;
	[sflag:s7] =	ssyncset.done $0x0  }
0x1a: {  	s10 =	sadd.s32 s16, s10;
	[sflag:s7] =	ssyncadd.s32 $0xFFFF0000  }
0x1b: {  	[hbm4b:s10+s2] =	stream.linear.scatter [tilespmem:s6], [sflag:$0x2], $0x10000, $0x38;
	[tilespmem:$0x10200] =	vst v63  }
0x1c: {  	s12 =	sor.u32 $0x400, s13;
	_ =	swait.ge [sflag:s3], $0x10000  }
0x1d: {  	s11 =	sshrl.u32 s12, $0x3;
	[sflag:s3] =	ssyncset.done $0x0  }
0x1e: {  	s11 =	sadd.s32 s15, s11;
	[sflag:s3] =	ssyncadd.s32 $0xFFFF0000  }
0x1f: {  	[tilespmem:s2], [sflag:$0x2] =	stream.linear.gather [hbm4b:s11+s2], $0x200, $0x38;
	[tilespmem:$0x10200] =	vst v63  }
0x20: {  	_ =	swait.ge [sflag:s3], $0x200  }
0x21: {  	[sflag:s3] =	ssyncset.done $0x0  }
0x22: {  	[sflag:s3] =	ssyncadd.s32 $0xFFFFFE00  }
0x23: {  	[tilespmem:s6], [sflag:$0x1] =	stream.indirect.gather [hbm4b:s5+s6], $0x80, s2, s6, $0xb8;
	[tilespmem:$0x10200] =	vst v63  }
0x24: {  	_ =	swait.ge [sflag:s7], $0x10000  }
0x25: {  	s12 =	sshll.u32 s12, $0x4;
	[sflag:s7] =	ssyncset.done $0x0  }
0x26: {  	s12 =	sadd.s32 s16, s12;
	[sflag:s7] =	ssyncadd.s32 $0xFFFF0000  }
0x27: {  	[hbm4b:s12+s2] =	stream.linear.scatter [tilespmem:s6], [sflag:$0x2], $0x10000, $0x38;
	[tilespmem:$0x10200] =	vst v63  }
0x28: {  	s17 =	sor.u32 $0x600, s13;
	_ =	swait.ge [sflag:s3], $0x10000  }
0x29: {  	s13 =	sshrl.u32 s17, $0x3;
	[sflag:s3] =	ssyncset.done $0x0  }
0x2a: {  	s14 =	ssub.s32 $0x2, s14;
	s13 =	sadd.s32 s15, s13;
	[sflag:s3] =	ssyncadd.s32 $0xFFFF0000  }
0x2b: {  	[tilespmem:s2], [sflag:$0x2] =	stream.linear.gather [hbm4b:s13+s2], $0x200, $0x38;
	[tilespmem:$0x10200] =	vst v63  }
0x2c: {  	s30 =	sshrl.u32 s14, $0x1;
	_ =	swait.ge [sflag:s3], $0x200  }
0x2d: {  	s15 =	ssub.s32 s14, s30;
	[sflag:s3] =	ssyncset.done $0x0  }
0x2e: {  	s15 =	smax.u32 s15, $0x1;
	[sflag:s3] =	ssyncadd.s32 $0xFFFFFE00  }
0x2f: {  	[tilespmem:s6], [sflag:$0x1] =	stream.indirect.gather [hbm4b:s5+s6], $0x80, s2, s6, $0xb8;
	[tilespmem:$0x10200] =	vst v63  }
0x30: {  	p0 =	sne.s32 s15, $0x1;
	_ =	swait.ge [sflag:s7], $0x10000  }
.Ltmp0:
0x31: {  	s31 =	sshll.u32 s17, $0x4;
	[sflag:s7] =	ssyncset.done $0x0;
	(pc) =	sbr.rel @!p0 .LBB2_2-.Ltmp0, $4  }
0x32: {  	s14 =	sadd.s32 s16, s31;
	[sflag:s7] =	ssyncadd.s32 $0xFFFF0000  }
0x33: {  	[hbm4b:s14+s2] =	stream.linear.scatter [tilespmem:s6], [sflag:$0x2], $0x10000, $0x38;
	[tilespmem:$0x10200] =	vst v63  }
0x34: {  	_ =	swait.ge [sflag:s3], $0x10000  }
0x35: {  	s15 =	sadd.s32 $0xFFFFFFFF, s15;
	[sflag:s3] =	ssyncset.done $0x0  }
.LBB2_1:
0x36: {  	p0 =	sne.s32 s15, $0x1;
	s15 =	sadd.s32 $0xFFFFFFFF, s15;
	[sflag:s3] =	ssyncadd.s32 $0xFFFF0000  }
0x37: {  	[tilespmem:s2], [sflag:$0x2] =	stream.linear.gather [hbm4b:s4+s2], $0x200, $0x38;
	[tilespmem:$0x10200] =	vst v63  }
0x38: {  	_ =	swait.ge [sflag:s3], $0x200  }
0x39: {  	[sflag:s3] =	ssyncset.done $0x0  }
0x3a: {  	[sflag:s3] =	ssyncadd.s32 $0xFFFFFE00  }
0x3b: {  	[tilespmem:s6], [sflag:$0x1] =	stream.indirect.gather [hbm4b:s5+s6], $0x80, s2, s6, $0xb8;
	[tilespmem:$0x10200] =	vst v63  }
0x3c: {  	_ =	swait.ge [sflag:s7], $0x10000  }
0x3d: {  	[sflag:s7] =	ssyncset.done $0x0  }
0x3e: {  	[sflag:s7] =	ssyncadd.s32 $0xFFFF0000  }
0x3f: {  	[hbm4b:s8+s2] =	stream.linear.scatter [tilespmem:s6], [sflag:$0x2], $0x10000, $0x38;
	[tilespmem:$0x10200] =	vst v63  }
0x40: {  	_ =	swait.ge [sflag:s3], $0x10000  }
0x41: {  	[sflag:s3] =	ssyncset.done $0x0  }
0x42: {  	[sflag:s3] =	ssyncadd.s32 $0xFFFF0000  }
0x43: {  	[tilespmem:s2], [sflag:$0x2] =	stream.linear.gather [hbm4b:s9+s2], $0x200, $0x38;
	[tilespmem:$0x10200] =	vst v63  }
0x44: {  	_ =	swait.ge [sflag:s3], $0x200  }
0x45: {  	[sflag:s3] =	ssyncset.done $0x0  }
0x46: {  	[sflag:s3] =	ssyncadd.s32 $0xFFFFFE00  }
0x47: {  	[tilespmem:s6], [sflag:$0x1] =	stream.indirect.gather [hbm4b:s5+s6], $0x80, s2, s6, $0xb8;
	[tilespmem:$0x10200] =	vst v63  }
0x48: {  	_ =	swait.ge [sflag:s7], $0x10000  }
0x49: {  	[sflag:s7] =	ssyncset.done $0x0  }
0x4a: {  	[sflag:s7] =	ssyncadd.s32 $0xFFFF0000  }
0x4b: {  	[hbm4b:s10+s2] =	stream.linear.scatter [tilespmem:s6], [sflag:$0x2], $0x10000, $0x38;
	[tilespmem:$0x10200] =	vst v63  }
0x4c: {  	_ =	swait.ge [sflag:s3], $0x10000  }
0x4d: {  	[sflag:s3] =	ssyncset.done $0x0  }
0x4e: {  	[sflag:s3] =	ssyncadd.s32 $0xFFFF0000  }
0x4f: {  	[tilespmem:s2], [sflag:$0x2] =	stream.linear.gather [hbm4b:s11+s2], $0x200, $0x38;
	[tilespmem:$0x10200] =	vst v63  }
0x50: {  	_ =	swait.ge [sflag:s3], $0x200  }
0x51: {  	[sflag:s3] =	ssyncset.done $0x0  }
0x52: {  	[sflag:s3] =	ssyncadd.s32 $0xFFFFFE00  }
0x53: {  	[tilespmem:s6], [sflag:$0x1] =	stream.indirect.gather [hbm4b:s5+s6], $0x80, s2, s6, $0xb8;
	[tilespmem:$0x10200] =	vst v63  }
0x54: {  	_ =	swait.ge [sflag:s7], $0x10000  }
0x55: {  	[sflag:s7] =	ssyncset.done $0x0  }
0x56: {  	[sflag:s7] =	ssyncadd.s32 $0xFFFF0000  }
0x57: {  	[hbm4b:s12+s2] =	stream.linear.scatter [tilespmem:s6], [sflag:$0x2], $0x10000, $0x38;
	[tilespmem:$0x10200] =	vst v63  }
0x58: {  	_ =	swait.ge [sflag:s3], $0x10000  }
0x59: {  	[sflag:s3] =	ssyncset.done $0x0  }
0x5a: {  	[sflag:s3] =	ssyncadd.s32 $0xFFFF0000  }
0x5b: {  	[tilespmem:s2], [sflag:$0x2] =	stream.linear.gather [hbm4b:s13+s2], $0x200, $0x38;
	[tilespmem:$0x10200] =	vst v63  }
0x5c: {  	_ =	swait.ge [sflag:s3], $0x200  }
0x5d: {  	[sflag:s3] =	ssyncset.done $0x0  }
0x5e: {  	[sflag:s3] =	ssyncadd.s32 $0xFFFFFE00  }
0x5f: {  	[tilespmem:s6], [sflag:$0x1] =	stream.indirect.gather [hbm4b:s5+s6], $0x80, s2, s6, $0xb8;
	[tilespmem:$0x10200] =	vst v63  }
0x60: {  	_ =	swait.ge [sflag:s7], $0x10000  }
.Ltmp1:
0x61: {  	[sflag:s7] =	ssyncset.done $0x0;
	(pc) =	sbr.rel @p0 .LBB2_1-.Ltmp1, $4  }
0x62: {  	[sflag:s7] =	ssyncadd.s32 $0xFFFF0000  }
0x63: {  	[hbm4b:s14+s2] =	stream.linear.scatter [tilespmem:s6], [sflag:$0x2], $0x10000, $0x38;
	[tilespmem:$0x10200] =	vst v63  }
0x64: {  	_ =	swait.ge [sflag:s3], $0x10000  }
0x65: {  	[sflag:s3] =	ssyncset.done $0x0  }
.LBB2_2:
0x66: {  	[sflag:s3] =	ssyncadd.s32 $0xFFFF0000  }
0x67: {  	_ =	sfence.sel $0x180000  }
0x68: {  	[bflag:$0x0] =	sbarrier.arrive $0xFFFF  }
0x69: {  	p0 =	sne.s32 s0, $0x0;
	_ =	strace $0x9000004A  }
0x6a: {  	s0 =	sadd.s32 @!p0 $0x100000, s1;
	[bflag:$0x2] =	sbarrier.arrive $0xFFFF  }
0x6b: {  	[sflag:s0] =	ssyncadd.tile.s32 @!p0 $0x1;
	_ =	shalt  }
.Lfunc_end2:
_tile_overlayer_lowered:
.L_overlay_start_2:
0x6c: {  	(tag) =	ssettag $0x2  }
0x6d: {  	s0 =	rddreg [dreg:$0x0];
	s2 =	stileid.u32  }
0x6e: {  	s1 =	rddreg [dreg:$0x1];
	p0 =	sne.s32 s2, $0x0  }
0x6f: {  	s3 =	rddreg [dreg:$0x2];
	[bflag:$0x3] =	sbarrier.arrive $0xFFFF;
	s2 =	simm.s32 @!p0 $0x1C02  }
0x70: {  	[timem:s3], [sflag:s2] =	dma.local @!p0 [hbm:s0], s1  }
0x71: {  	s0 =	simm.s32 @!p0 $0x2  }
0x72: {  	_ =	swait.ge @!p0 [sflag:s0], s1  }
0x73: {  	s1 =	ssub.s32 @!p0 $0x0, s1;
	[sflag:s0] =	ssyncset.done @!p0 $0x0  }
0x74: {  	[sflag:s0] =	ssyncadd.s32 @!p0 s1  }
0x75: {  	[bflag:$0x3] =	sbarrier.arrive $0xFFFF  }
0x76: {  	_ =	shalt  }

// kernel: kernel.15.cloned.1.call-start
scs
__scs_entry_jumppad:
0x0: {  	(pc) =	sbr.rel $0x88, $3  }
0x1: {  	(tag) =	ssettag $0x0;
	lr =	simm.s32 $0x1  }
0x2: {  	[smem:$0x3F9F] =	sst lr;
	_ =	strace $0xD0000000  }
0x3: {  	_ = 	snop  }
0x4: {  	_ = 	snop  }
0x5: {  	_ = 	snop  }
0x6: {  	_ = 	snop  }
0x7: {  	_ = 	snop  }
__scs_overlays_trampoline_lowered:
0x8: {  	[smem:$0x3FAE] =	sst s0  }
0x9: {  	[smem:$0x3FAF] =	sst s1  }
0xa: {  	[smem:$0x3FB0] =	sst s2  }
0xb: {  	[smem:$0x3FB1] =	sst s3  }
0xc: {  	[smem:$0x3FB2] =	sst s4  }
0xd: {  	[smem:$0x3FB3] =	sst s5  }
0xe: {  	[smem:$0x3FB4] =	sst s6  }
0xf: {  	[smem:$0x3FB5] =	sst s7  }
0x10: {  	[smem:$0x3FB6] =	sst s8  }
0x11: {  	[smem:$0x3FB7] =	sst s9;
	s0 =	simm.s32 @!p0 $0x0  }
0x12: {  	s1 =	sld [smem:$0x3F9D];
	s0 =	simm.s32 @p0 $0x1  }
0x13: {  	[smem:$0x3FB8] =	sst s0;
	s0 =	simm.s32 @!p1 $0x0  }
0x14: {  	s2 =	sld [smem:$0x3F9C];
	s0 =	simm.s32 @p1 $0x1  }
0x15: {  	[smem:$0x3FB9] =	sst s0;
	s0 =	simm.s32 @!p2 $0x0  }
0x16: {  	s3 =	sld [smem:$0x3FDB];
	s0 =	simm.s32 @p2 $0x1  }
0x17: {  	s4 =	simm.s32 $0x1BF5;
	[smem:$0x3FBB] =	sst s0  }
0x18: {  	s0 =	sld [smem:$0x3F9E];
	_ =	swait.ge [sflag:s4], $0x0  }
0x19: {  	s7 =	sld [smem:$0x3F9F]  }
0x1a: {  	s8 =	sadd.s32 $0xFFFFE003, lr  }
0x1b: {  	s9 =	sadd.s32 $0xFFFFFEF7, lr;
	s5 =	simm.s32 $0xFFFFFFFF;
	p2 =	slt.u32 s8, $0xFFFFF086  }
0x1c: {  	p1 =	slt.u32 s9, $0xF7A;
	s5 =	simm.s32 @!p2 $0x0  }
0x1d: {  	s5 =	simm.s32 @p1 $0x1;
	p0 =	seq.s32 s7, s2  }
0x1e: {  	s7 =	smul.u32 @!p0 $0xF7A, s2;
	p2 =	seq.s32 @!p0 s5, $0x0  }
0x1f: {  	s9 =	smul.u32 $0xF7A, s1;
	s8 =	simm.s32 @!p0 $0x1BF5;
	p2 =	por !p2, p0  }
0x20: {  	[sflag:s8] =	ssyncset.s32 @!p0 $0xFFFFF086;
	s6 =	sadd.s32 @!p0 s3, s7;
	s7 =	simm.s32 @!p0 $0x108  }
0x21: {  	s3 =	sadd.s32 s3, s9;
	s6 =	sadd.s32 @!p0 $0x88, s6;
	s7 =	simm.s32 @p2 $0x1082  }
0x22: {  	[simem:s7], [sflag:s8] =	dma.local @!p0 [hbm:s6], $0xF7A  }
0x23: {  	s9 =	sor.u32 $0xD0000000, s2;
	s6 =	simm.s32 $0x108;
	_ =	swait.ge @!p0 [sflag:s8], $0x0  }
0x24: {  	s3 =	sadd.s32 $0x88, s3;
	s6 =	simm.s32 @!p1 $0x1082;
	[sflag:s4] =	ssyncset.s32 $0xFFFFF086  }
0x25: {  	[simem:s6], [sflag:s4] =	dma.local [hbm:s3], $0xF7A  }
0x26: {  	[smem:$0x3F9F] =	sst s1;
	(tag) =	ssettag s2;
	_ =	strace s9  }
0x27: {  	s1 =	sld [smem:$0x3FAF]  }
0x28: {  	s2 =	sld [smem:$0x3FB0]  }
0x29: {  	s4 =	sld [smem:$0x3FB2]  }
0x2a: {  	p0 =	seq.s32 s5, $0x0;
	s5 =	sld [smem:$0x3FB3]  }
0x2b: {  	s6 =	sld [smem:$0x3FB4]  }
0x2c: {  	s7 =	sld [smem:$0x3FB5]  }
0x2d: {  	s3 =	simm.s32 $0x108;
	s8 =	sld [smem:$0x3FB6]  }
0x2e: {  	s3 =	simm.s32 @!p0 $0x1082;
	s9 =	sld [smem:$0x3FB7]  }
0x2f: {  	lr =	sadd.s32 s0, s3;
	s0 =	sld [smem:$0x3FAE]  }
0x30: {  	s3 =	sld [smem:$0x3FB1]  }
0x31: {  	[smem:$0x3FBA] =	sst s10  }
0x32: {  	s10 =	sld [smem:$0x3FB8];
	_ =	sdelay $0x3  }
0x33: {  	p0 =	seq.s32 s10, $0x1;
	s10 =	sld [smem:$0x3FBA];
	_ =	sdelay $0x3  }
0x34: {  	[smem:$0x3FBA] =	sst s10  }
0x35: {  	s10 =	sld [smem:$0x3FB9];
	_ =	sdelay $0x3  }
0x36: {  	p1 =	seq.s32 s10, $0x1;
	s10 =	sld [smem:$0x3FBA];
	_ =	sdelay $0x3  }
0x37: {  	[smem:$0x3FBA] =	sst s10  }
0x38: {  	s10 =	sld [smem:$0x3FBB]  }
0x39: {  	_ = 	snop;
	(pc) =	sbr.ind lr, $3  }
0x3a: {  	_ = 	snop  }
0x3b: {  	_ = 	snop  }
0x3c: {  	p2 =	seq.s32 s10, $0x1;
	s10 =	sld [smem:$0x3FBA]  }
0x3d: {  	_ =	shalt  }
0x3e: {  	_ =	shalt  }
0x3f: {  	_ =	shalt  }
0x40: {  	_ =	shalt  }
0x41: {  	_ =	shalt  }
0x42: {  	_ =	shalt  }
0x43: {  	_ =	shalt  }
0x44: {  	_ =	shalt  }
0x45: {  	_ =	shalt  }
0x46: {  	_ =	shalt  }
0x47: {  	_ =	shalt  }
0x48: {  	_ =	shalt  }
0x49: {  	_ =	shalt  }
0x4a: {  	_ =	shalt  }
0x4b: {  	_ =	shalt  }
0x4c: {  	_ =	shalt  }
0x4d: {  	_ =	shalt  }
0x4e: {  	_ =	shalt  }
0x4f: {  	_ =	shalt  }
0x50: {  	_ =	shalt  }
0x51: {  	_ =	shalt  }
0x52: {  	_ =	shalt  }
0x53: {  	_ =	shalt  }
0x54: {  	_ =	shalt  }
0x55: {  	_ =	shalt  }
0x56: {  	_ =	shalt  }
0x57: {  	_ =	shalt  }
0x58: {  	_ =	shalt  }
0x59: {  	_ =	shalt  }
0x5a: {  	_ =	shalt  }
0x5b: {  	_ =	shalt  }
0x5c: {  	_ =	shalt  }
0x5d: {  	_ =	shalt  }
0x5e: {  	_ =	shalt  }
0x5f: {  	_ =	shalt  }
0x60: {  	_ =	shalt  }
0x61: {  	_ =	shalt  }
0x62: {  	_ =	shalt  }
0x63: {  	_ =	shalt  }
0x64: {  	_ =	shalt  }
0x65: {  	_ =	shalt  }
0x66: {  	_ =	shalt  }
0x67: {  	_ =	shalt  }
0x68: {  	_ =	shalt  }
0x69: {  	_ =	shalt  }
0x6a: {  	_ =	shalt  }
0x6b: {  	_ =	shalt  }
0x6c: {  	_ =	shalt  }
0x6d: {  	_ =	shalt  }
0x6e: {  	_ =	shalt  }
0x6f: {  	_ =	shalt  }
0x70: {  	_ =	shalt  }
0x71: {  	_ =	shalt  }
0x72: {  	_ =	shalt  }
0x73: {  	_ =	shalt  }
0x74: {  	_ =	shalt  }
0x75: {  	_ =	shalt  }
0x76: {  	_ =	shalt  }
0x77: {  	_ =	shalt  }
0x78: {  	_ =	shalt  }
0x79: {  	_ =	shalt  }
0x7a: {  	_ =	shalt  }
0x7b: {  	_ =	shalt  }
0x7c: {  	_ =	shalt  }
0x7d: {  	_ =	shalt  }
0x7e: {  	_ =	shalt  }
0x7f: {  	_ =	shalt  }
0x80: {  	_ =	shalt  }
0x81: {  	_ =	shalt  }
0x82: {  	_ =	shalt  }
0x83: {  	_ =	shalt  }
0x84: {  	_ =	shalt  }
0x85: {  	_ =	shalt  }
0x86: {  	_ =	shalt  }
0x87: {  	_ =	shalt  }
.Lfunc_end0:
.L_simem_size_0:
called_computation.2_lowered:
.L_overlay_start_0:
0x88: {  	s2 =	sld [smem:$0x3FD9]  }
0x89: {  	s3 =	sld [smem:$0x3FFE];
	_ =	sdelay $0x1  }
0x8a: {  	s1 =	srdreg.scid  }
0x8b: {  	s0 =	sand.u32 $0x1, s1  }
0x8c: {  	s17 =	sshll.u32 s0, $0xA;
	s2 =	sadd.s32 s3, s2  }
0x8d: {  	s2 =	sadd.s32 s2, s17  }
0x8e: {  	[smem:$0x3FC6] =	sst s2  }
0x8f: {  	_ = 	snop  }
0x90: {  	s2 =	sld [smem:$0x3FD0];
	(tm) =	ssettm $0x1  }
0x91: {  	s18 =	sld [smem:$0x3FFB];
	_ =	sdelay $0x3  }
0x92: {  	_ =	strace s18  }
0x93: {  	s3 =	sld [smem:$0x3FFC];
	_ =	sdelay $0x3  }
0x94: {  	_ =	strace s3  }
0x95: {  	s3 =	sld [smem:$0x3FFD];
	_ =	sdelay $0x3  }
0x96: {  	_ =	strace s3  }
0x97: {  	_ =	strace $0x8FFFFFFF  }
0x98: {  	s19 =	sld [smem:$0x3FDB];
	_ =	sdelay $0x1  }
0x99: {  	s4 =	simm.s32 $_scs_section_size  }
0x9a: {  	s5 =	simm.s32 $_size__tile_overlayer_lowered;
	s6 =	simm.s32 $_tile_overlayer_lowered  }
0x9b: {  	s22 =	simm.s32 $0x1BFF;
	s21 =	sshll.u32 s6, $0x1;
	s3 =	sadd.s32 s4, s19  }
0x9c: {  	s7 =	simm.s32 $0x0;
	s20 =	sshll.u32 s5, $0x1;
	s5 =	sadd.s32 s21, s3  }
0x9d: {  	[timem:s7], [sflag:s22] =	dma.local [hbm:s5], s20  }
0x9e: {  	_ =	swait.ge [sflag:s22], s20  }
0x9f: {  	s4 =	ssub.s32 $0x0, s20;
	[sflag:s22] =	ssyncset.done $0x0  }
0xa0: {  	[sflag:s22] =	ssyncadd.s32 s4;
	_ =	sdelay $0x1  }
0xa1: {  	s23 =	simm.s32 $0x1B8B  }
0xa2: {  	_ =	swait.ge [sflag:s23], $0x1  }
0xa3: {  	[sflag:s23] =	ssyncset.done $0x0  }
0xa4: {  	s25 =	simm.s32 $0x1B8E;
	s24 =	sld [smem:$0x3FFE];
	[sflag:s23] =	ssyncadd.s32 $0xFFFFFFFF  }
0xa5: {  	s26 =	simm.s32 $execute0_lowered;
	[smem:$0x3FD2] =	sst s25  }
0xa6: {  	s5 =	sshll.u32 s26, $0x1;
	_ =	strace $0x8000004C;
	[dreg:$0x1] =	wrdreg $0xFFFFFFFF  }
0xa7: {  	s28 =	simm.s32 $_size_execute0_lowered;
	s3 =	sadd.s32 s3, s5;
	[dreg:$0x0] =	wrdreg $0x0  }
0xa8: {  	s5 =	sshll.u32 s28, $0x1;
	[dreg:$0x2] =	wrdreg s3  }
0xa9: {  	[dreg:$0x3] =	wrdreg s5  }
0xaa: {  	[dreg:$0x4] =	wrdreg $0xC0  }
0xab: {  	_ =	task [dreg:s7], $0x5FFFF  }
0xac: {  	[dreg:$0x1] =	wrdreg $0xFFFFFFFF  }
0xad: {  	[dreg:$0x0] =	wrdreg $0x60  }
0xae: {  	[dreg:$0x2] =	wrdreg s2  }
0xaf: {  	[dreg:$0x3] =	wrdreg s24  }
0xb0: {  	[dreg:$0x4] =	wrdreg $0x9  }
0xb1: {  	_ =	task.clear_ibuf [dreg:s7], $0x5FFFF;
	_ =	strace $0x9000004C  }
0xb2: {  	s29 =	simm.s32 $0x9;
	_ =	strace $0x8000004E  }
0xb3: {  	_ =	swait.ge [sflag:s29], $0x1  }
0xb4: {  	[sflag:s29] =	ssyncadd.s32 $0xFFFFFFFF  }
0xb5: {  	_ =	strace $0x9000004E  }
0xb6: {  	_ =	sfence  }
0xb7: {  	s30 =	sld [smem:$0x0];
	_ =	sdelay $0x2  }
0xb8: {  	s31 =	sshll.u32 s1, $0xD;
	s1 =	sshrl.u32 s1, $0x2  }
0xb9: {  	s3 =	sand.u32 $0x4000, s31;
	s1 =	sadd.s32 s1, s30  }
0xba: {  	s0 =	sor.u32 s3, s0;
	s1 =	sshll.u32 s1, $0x11  }
0xbb: {  	s0 =	sor.u32 s1, s0  }
0xbc: {  	s0 =	sadd.s32 $0x8F2B, s0  }
0xbd: {  	[sflag:s0] =	ssyncadd.remote.s32 $0x1  }
0xbe: {  	_ =	sfence.sel $0xFFFF  }
0xbf: {  	[dreg:$0x0] =	wrdreg $0xFFFFFFFF;
	(pc) =	sbr.abs _section_cstart, $3  }
0xc0: {  	[dreg:$0x1] =	wrdreg $0xFFFFFFFF  }
0xc1: {  	_ =	task.clear_ibuf [dreg:s7], $0x2FFFF;
	_ =	strace $0x9FFFFFFF  }
0xc2: {  	(tm) =	ssettm $0x7FFFFFFF  }
0xc3: {  	_ =	shalt  }
tec
execute0_lowered:
.L_overlay_start_1:
0x0: {  	(tag) =	ssettag $0x1  }
0x1: {  	s1 =	srdreg.scid  }
0x2: {  	s2 =	rddreg [dreg:$0x0];
	s0 =	stileid.u32;
	s14 =	sand.u32 $0x1, s1  }
0x3: {  	s8 =	rddreg [dreg:$0x1];
	s4 =	sshll.u32 s0, $0xC;
	s5 =	sshll.u32 s14, $0xB  }
0x4: {  	s3 =	simm.s32 $0x0;
	s1 =	rddreg [dreg:$0x2];
	s13 =	sor.u32 s5, s4  }
0x5: {  	[smem:$0x7FF] =	sst s3;
	s15 =	sadd.s32 $0x600, s8;
	s4 =	sshrl.u32 s13, $0x3  }
0x6: {  	_ =	strace $0x8000004D;
	s5 =	sadd.s32 s15, s4;
	s4 =	simm.s32 $0x2  }
0x7: {  	[tilespmem:s3], [sflag:$0x2] =	stream.linear.gather [hbm4b:s5+s3], $0x200, $0x38;
	[tilespmem:$0x10200] =	vst v63  }
0x8: {  	_ =	swait.ge [sflag:s4], $0x200  }
0x9: {  	[sflag:s4] =	ssyncset.done $0x0  }
0xa: {  	s6 =	simm.s32 $0x200;
	s7 =	simm.s32 $0x1;
	[sflag:s4] =	ssyncadd.s32 $0xFFFFFE00  }
0xb: {  	[tilespmem:s6], [sflag:$0x1] =	stream.indirect.gather [hbm4b:s2+s6], $0x80, s3, s6, $0xb8;
	[tilespmem:$0x10200] =	vst v63  }
0xc: {  	_ =	swait.ge [sflag:s7], $0x10000  }
0xd: {  	s16 =	sadd.s32 $0xC800, s8;
	s29 =	sshll.u32 s13, $0x4;
	[sflag:s7] =	ssyncset.done $0x0  }
0xe: {  	s8 =	sadd.s32 s16, s29;
	[sflag:s7] =	ssyncadd.s32 $0xFFFF0000  }
0xf: {  	[hbm4b:s8+s3] =	stream.linear.scatter [tilespmem:s6], [sflag:$0x2], $0x10000, $0x38;
	[tilespmem:$0x10200] =	vst v63  }
0x10: {  	s10 =	sor.u32 $0x200, s13;
	_ =	swait.ge [sflag:s4], $0x10000  }
0x11: {  	s9 =	sshrl.u32 s10, $0x3;
	[sflag:s4] =	ssyncset.done $0x0  }
0x12: {  	s9 =	sadd.s32 s15, s9;
	[sflag:s4] =	ssyncadd.s32 $0xFFFF0000  }
0x13: {  	[tilespmem:s3], [sflag:$0x2] =	stream.linear.gather [hbm4b:s9+s3], $0x200, $0x38;
	[tilespmem:$0x10200] =	vst v63  }
0x14: {  	_ =	swait.ge [sflag:s4], $0x200  }
0x15: {  	[sflag:s4] =	ssyncset.done $0x0  }
0x16: {  	[sflag:s4] =	ssyncadd.s32 $0xFFFFFE00  }
0x17: {  	[tilespmem:s6], [sflag:$0x1] =	stream.indirect.gather [hbm4b:s2+s6], $0x80, s3, s6, $0xb8;
	[tilespmem:$0x10200] =	vst v63  }
0x18: {  	_ =	swait.ge [sflag:s7], $0x10000  }
0x19: {  	s10 =	sshll.u32 s10, $0x4;
	[sflag:s7] =	ssyncset.done $0x0  }
0x1a: {  	s10 =	sadd.s32 s16, s10;
	[sflag:s7] =	ssyncadd.s32 $0xFFFF0000  }
0x1b: {  	[hbm4b:s10+s3] =	stream.linear.scatter [tilespmem:s6], [sflag:$0x2], $0x10000, $0x38;
	[tilespmem:$0x10200] =	vst v63  }
0x1c: {  	s12 =	sor.u32 $0x400, s13;
	_ =	swait.ge [sflag:s4], $0x10000  }
0x1d: {  	s11 =	sshrl.u32 s12, $0x3;
	[sflag:s4] =	ssyncset.done $0x0  }
0x1e: {  	s11 =	sadd.s32 s15, s11;
	[sflag:s4] =	ssyncadd.s32 $0xFFFF0000  }
0x1f: {  	[tilespmem:s3], [sflag:$0x2] =	stream.linear.gather [hbm4b:s11+s3], $0x200, $0x38;
	[tilespmem:$0x10200] =	vst v63  }
0x20: {  	_ =	swait.ge [sflag:s4], $0x200  }
0x21: {  	[sflag:s4] =	ssyncset.done $0x0  }
0x22: {  	[sflag:s4] =	ssyncadd.s32 $0xFFFFFE00  }
0x23: {  	[tilespmem:s6], [sflag:$0x1] =	stream.indirect.gather [hbm4b:s2+s6], $0x80, s3, s6, $0xb8;
	[tilespmem:$0x10200] =	vst v63  }
0x24: {  	_ =	swait.ge [sflag:s7], $0x10000  }
0x25: {  	s12 =	sshll.u32 s12, $0x4;
	[sflag:s7] =	ssyncset.done $0x0  }
0x26: {  	s12 =	sadd.s32 s16, s12;
	[sflag:s7] =	ssyncadd.s32 $0xFFFF0000  }
0x27: {  	[hbm4b:s12+s3] =	stream.linear.scatter [tilespmem:s6], [sflag:$0x2], $0x10000, $0x38;
	[tilespmem:$0x10200] =	vst v63  }
0x28: {  	s17 =	sor.u32 $0x600, s13;
	_ =	swait.ge [sflag:s4], $0x10000  }
0x29: {  	s13 =	sshrl.u32 s17, $0x3;
	[sflag:s4] =	ssyncset.done $0x0  }
0x2a: {  	s14 =	ssub.s32 $0x2, s14;
	s13 =	sadd.s32 s15, s13;
	[sflag:s4] =	ssyncadd.s32 $0xFFFF0000  }
0x2b: {  	[tilespmem:s3], [sflag:$0x2] =	stream.linear.gather [hbm4b:s13+s3], $0x200, $0x38;
	[tilespmem:$0x10200] =	vst v63  }
0x2c: {  	s30 =	sshrl.u32 s14, $0x1;
	_ =	swait.ge [sflag:s4], $0x200  }
0x2d: {  	s15 =	ssub.s32 s14, s30;
	[sflag:s4] =	ssyncset.done $0x0  }
0x2e: {  	s15 =	smax.u32 s15, $0x1;
	[sflag:s4] =	ssyncadd.s32 $0xFFFFFE00  }
0x2f: {  	[tilespmem:s6], [sflag:$0x1] =	stream.indirect.gather [hbm4b:s2+s6], $0x80, s3, s6, $0xb8;
	[tilespmem:$0x10200] =	vst v63  }
0x30: {  	p0 =	sne.s32 s15, $0x1;
	_ =	swait.ge [sflag:s7], $0x10000  }
.Ltmp0:
0x31: {  	s31 =	sshll.u32 s17, $0x4;
	[sflag:s7] =	ssyncset.done $0x0;
	(pc) =	sbr.rel @!p0 .LBB2_2-.Ltmp0, $4  }
0x32: {  	s14 =	sadd.s32 s16, s31;
	[sflag:s7] =	ssyncadd.s32 $0xFFFF0000  }
0x33: {  	[hbm4b:s14+s3] =	stream.linear.scatter [tilespmem:s6], [sflag:$0x2], $0x10000, $0x38;
	[tilespmem:$0x10200] =	vst v63  }
0x34: {  	_ =	swait.ge [sflag:s4], $0x10000  }
0x35: {  	s15 =	sadd.s32 $0xFFFFFFFF, s15;
	[sflag:s4] =	ssyncset.done $0x0  }
.LBB2_1:
0x36: {  	p0 =	sne.s32 s15, $0x1;
	s15 =	sadd.s32 $0xFFFFFFFF, s15;
	[sflag:s4] =	ssyncadd.s32 $0xFFFF0000  }
0x37: {  	[tilespmem:s3], [sflag:$0x2] =	stream.linear.gather [hbm4b:s5+s3], $0x200, $0x38;
	[tilespmem:$0x10200] =	vst v63  }
0x38: {  	_ =	swait.ge [sflag:s4], $0x200  }
0x39: {  	[sflag:s4] =	ssyncset.done $0x0  }
0x3a: {  	[sflag:s4] =	ssyncadd.s32 $0xFFFFFE00  }
0x3b: {  	[tilespmem:s6], [sflag:$0x1] =	stream.indirect.gather [hbm4b:s2+s6], $0x80, s3, s6, $0xb8;
	[tilespmem:$0x10200] =	vst v63  }
0x3c: {  	_ =	swait.ge [sflag:s7], $0x10000  }
0x3d: {  	[sflag:s7] =	ssyncset.done $0x0  }
0x3e: {  	[sflag:s7] =	ssyncadd.s32 $0xFFFF0000  }
0x3f: {  	[hbm4b:s8+s3] =	stream.linear.scatter [tilespmem:s6], [sflag:$0x2], $0x10000, $0x38;
	[tilespmem:$0x10200] =	vst v63  }
0x40: {  	_ =	swait.ge [sflag:s4], $0x10000  }
0x41: {  	[sflag:s4] =	ssyncset.done $0x0  }
0x42: {  	[sflag:s4] =	ssyncadd.s32 $0xFFFF0000  }
0x43: {  	[tilespmem:s3], [sflag:$0x2] =	stream.linear.gather [hbm4b:s9+s3], $0x200, $0x38;
	[tilespmem:$0x10200] =	vst v63  }
0x44: {  	_ =	swait.ge [sflag:s4], $0x200  }
0x45: {  	[sflag:s4] =	ssyncset.done $0x0  }
0x46: {  	[sflag:s4] =	ssyncadd.s32 $0xFFFFFE00  }
0x47: {  	[tilespmem:s6], [sflag:$0x1] =	stream.indirect.gather [hbm4b:s2+s6], $0x80, s3, s6, $0xb8;
	[tilespmem:$0x10200] =	vst v63  }
0x48: {  	_ =	swait.ge [sflag:s7], $0x10000  }
0x49: {  	[sflag:s7] =	ssyncset.done $0x0  }
0x4a: {  	[sflag:s7] =	ssyncadd.s32 $0xFFFF0000  }
0x4b: {  	[hbm4b:s10+s3] =	stream.linear.scatter [tilespmem:s6], [sflag:$0x2], $0x10000, $0x38;
	[tilespmem:$0x10200] =	vst v63  }
0x4c: {  	_ =	swait.ge [sflag:s4], $0x10000  }
0x4d: {  	[sflag:s4] =	ssyncset.done $0x0  }
0x4e: {  	[sflag:s4] =	ssyncadd.s32 $0xFFFF0000  }
0x4f: {  	[tilespmem:s3], [sflag:$0x2] =	stream.linear.gather [hbm4b:s11+s3], $0x200, $0x38;
	[tilespmem:$0x10200] =	vst v63  }
0x50: {  	_ =	swait.ge [sflag:s4], $0x200  }
0x51: {  	[sflag:s4] =	ssyncset.done $0x0  }
0x52: {  	[sflag:s4] =	ssyncadd.s32 $0xFFFFFE00  }
0x53: {  	[tilespmem:s6], [sflag:$0x1] =	stream.indirect.gather [hbm4b:s2+s6], $0x80, s3, s6, $0xb8;
	[tilespmem:$0x10200] =	vst v63  }
0x54: {  	_ =	swait.ge [sflag:s7], $0x10000  }
0x55: {  	[sflag:s7] =	ssyncset.done $0x0  }
0x56: {  	[sflag:s7] =	ssyncadd.s32 $0xFFFF0000  }
0x57: {  	[hbm4b:s12+s3] =	stream.linear.scatter [tilespmem:s6], [sflag:$0x2], $0x10000, $0x38;
	[tilespmem:$0x10200] =	vst v63  }
0x58: {  	_ =	swait.ge [sflag:s4], $0x10000  }
0x59: {  	[sflag:s4] =	ssyncset.done $0x0  }
0x5a: {  	[sflag:s4] =	ssyncadd.s32 $0xFFFF0000  }
0x5b: {  	[tilespmem:s3], [sflag:$0x2] =	stream.linear.gather [hbm4b:s13+s3], $0x200, $0x38;
	[tilespmem:$0x10200] =	vst v63  }
0x5c: {  	_ =	swait.ge [sflag:s4], $0x200  }
0x5d: {  	[sflag:s4] =	ssyncset.done $0x0  }
0x5e: {  	[sflag:s4] =	ssyncadd.s32 $0xFFFFFE00  }
0x5f: {  	[tilespmem:s6], [sflag:$0x1] =	stream.indirect.gather [hbm4b:s2+s6], $0x80, s3, s6, $0xb8;
	[tilespmem:$0x10200] =	vst v63  }
0x60: {  	_ =	swait.ge [sflag:s7], $0x10000  }
.Ltmp1:
0x61: {  	[sflag:s7] =	ssyncset.done $0x0;
	(pc) =	sbr.rel @p0 .LBB2_1-.Ltmp1, $4  }
0x62: {  	[sflag:s7] =	ssyncadd.s32 $0xFFFF0000  }
0x63: {  	[hbm4b:s14+s3] =	stream.linear.scatter [tilespmem:s6], [sflag:$0x2], $0x10000, $0x38;
	[tilespmem:$0x10200] =	vst v63  }
0x64: {  	_ =	swait.ge [sflag:s4], $0x10000  }
0x65: {  	[sflag:s4] =	ssyncset.done $0x0  }
.LBB2_2:
0x66: {  	[sflag:s4] =	ssyncadd.s32 $0xFFFF0000  }
0x67: {  	_ =	sfence.sel $0x180000  }
0x68: {  	[bflag:$0x0] =	sbarrier.arrive $0xFFFF  }
0x69: {  	p0 =	sne.s32 s0, $0x0;
	_ =	strace $0x9000004D  }
0x6a: {  	s0 =	sadd.s32 @!p0 $0x100000, s1;
	[bflag:$0x2] =	sbarrier.arrive $0xFFFF  }
0x6b: {  	[sflag:s0] =	ssyncadd.tile.s32 @!p0 $0x1;
	_ =	shalt  }
.Lfunc_end2:
_tile_overlayer_lowered:
.L_overlay_start_2:
0x6c: {  	(tag) =	ssettag $0x2  }
0x6d: {  	s0 =	rddreg [dreg:$0x0];
	s2 =	stileid.u32  }
0x6e: {  	s1 =	rddreg [dreg:$0x1];
	p0 =	sne.s32 s2, $0x0  }
0x6f: {  	s3 =	rddreg [dreg:$0x2];
	[bflag:$0x3] =	sbarrier.arrive $0xFFFF;
	s2 =	simm.s32 @!p0 $0x1C02  }
0x70: {  	[timem:s3], [sflag:s2] =	dma.local @!p0 [hbm:s0], s1  }
0x71: {  	s0 =	simm.s32 @!p0 $0x2  }
0x72: {  	_ =	swait.ge @!p0 [sflag:s0], s1  }
0x73: {  	s1 =	ssub.s32 @!p0 $0x0, s1;
	[sflag:s0] =	ssyncset.done @!p0 $0x0  }
0x74: {  	[sflag:s0] =	ssyncadd.s32 @!p0 s1  }
0x75: {  	[bflag:$0x3] =	sbarrier.arrive $0xFFFF  }
0x76: {  	_ =	shalt  }

// kernel: kernel.9.cloned.1.call-start
scs
__scs_entry_jumppad:
0x0: {  	(pc) =	sbr.rel $0x88, $3  }
0x1: {  	(tag) =	ssettag $0x0;
	lr =	simm.s32 $0x1  }
0x2: {  	[smem:$0x3F9F] =	sst lr;
	_ =	strace $0xD0000000  }
0x3: {  	_ = 	snop  }
0x4: {  	_ = 	snop  }
0x5: {  	_ = 	snop  }
0x6: {  	_ = 	snop  }
0x7: {  	_ = 	snop  }
__scs_overlays_trampoline_lowered:
0x8: {  	[smem:$0x3FAE] =	sst s0  }
0x9: {  	[smem:$0x3FAF] =	sst s1  }
0xa: {  	[smem:$0x3FB0] =	sst s2  }
0xb: {  	[smem:$0x3FB1] =	sst s3  }
0xc: {  	[smem:$0x3FB2] =	sst s4  }
0xd: {  	[smem:$0x3FB3] =	sst s5  }
0xe: {  	[smem:$0x3FB4] =	sst s6  }
0xf: {  	[smem:$0x3FB5] =	sst s7  }
0x10: {  	[smem:$0x3FB6] =	sst s8  }
0x11: {  	[smem:$0x3FB7] =	sst s9;
	s0 =	simm.s32 @!p0 $0x0  }
0x12: {  	s1 =	sld [smem:$0x3F9D];
	s0 =	simm.s32 @p0 $0x1  }
0x13: {  	[smem:$0x3FB8] =	sst s0;
	s0 =	simm.s32 @!p1 $0x0  }
0x14: {  	s2 =	sld [smem:$0x3F9C];
	s0 =	simm.s32 @p1 $0x1  }
0x15: {  	[smem:$0x3FB9] =	sst s0;
	s0 =	simm.s32 @!p2 $0x0  }
0x16: {  	s3 =	sld [smem:$0x3FDB];
	s0 =	simm.s32 @p2 $0x1  }
0x17: {  	s4 =	simm.s32 $0x1BF5;
	[smem:$0x3FBB] =	sst s0  }
0x18: {  	s0 =	sld [smem:$0x3F9E];
	_ =	swait.ge [sflag:s4], $0x0  }
0x19: {  	s7 =	sld [smem:$0x3F9F]  }
0x1a: {  	s8 =	sadd.s32 $0xFFFFE003, lr  }
0x1b: {  	s9 =	sadd.s32 $0xFFFFFEF7, lr;
	s5 =	simm.s32 $0xFFFFFFFF;
	p2 =	slt.u32 s8, $0xFFFFF086  }
0x1c: {  	p1 =	slt.u32 s9, $0xF7A;
	s5 =	simm.s32 @!p2 $0x0  }
0x1d: {  	s5 =	simm.s32 @p1 $0x1;
	p0 =	seq.s32 s7, s2  }
0x1e: {  	s7 =	smul.u32 @!p0 $0xF7A, s2;
	p2 =	seq.s32 @!p0 s5, $0x0  }
0x1f: {  	s9 =	smul.u32 $0xF7A, s1;
	s8 =	simm.s32 @!p0 $0x1BF5;
	p2 =	por !p2, p0  }
0x20: {  	[sflag:s8] =	ssyncset.s32 @!p0 $0xFFFFF086;
	s6 =	sadd.s32 @!p0 s3, s7;
	s7 =	simm.s32 @!p0 $0x108  }
0x21: {  	s3 =	sadd.s32 s3, s9;
	s6 =	sadd.s32 @!p0 $0x88, s6;
	s7 =	simm.s32 @p2 $0x1082  }
0x22: {  	[simem:s7], [sflag:s8] =	dma.local @!p0 [hbm:s6], $0xF7A  }
0x23: {  	s9 =	sor.u32 $0xD0000000, s2;
	s6 =	simm.s32 $0x108;
	_ =	swait.ge @!p0 [sflag:s8], $0x0  }
0x24: {  	s3 =	sadd.s32 $0x88, s3;
	s6 =	simm.s32 @!p1 $0x1082;
	[sflag:s4] =	ssyncset.s32 $0xFFFFF086  }
0x25: {  	[simem:s6], [sflag:s4] =	dma.local [hbm:s3], $0xF7A  }
0x26: {  	[smem:$0x3F9F] =	sst s1;
	(tag) =	ssettag s2;
	_ =	strace s9  }
0x27: {  	s1 =	sld [smem:$0x3FAF]  }
0x28: {  	s2 =	sld [smem:$0x3FB0]  }
0x29: {  	s4 =	sld [smem:$0x3FB2]  }
0x2a: {  	p0 =	seq.s32 s5, $0x0;
	s5 =	sld [smem:$0x3FB3]  }
0x2b: {  	s6 =	sld [smem:$0x3FB4]  }
0x2c: {  	s7 =	sld [smem:$0x3FB5]  }
0x2d: {  	s3 =	simm.s32 $0x108;
	s8 =	sld [smem:$0x3FB6]  }
0x2e: {  	s3 =	simm.s32 @!p0 $0x1082;
	s9 =	sld [smem:$0x3FB7]  }
0x2f: {  	lr =	sadd.s32 s0, s3;
	s0 =	sld [smem:$0x3FAE]  }
0x30: {  	s3 =	sld [smem:$0x3FB1]  }
0x31: {  	[smem:$0x3FBA] =	sst s10  }
0x32: {  	s10 =	sld [smem:$0x3FB8];
	_ =	sdelay $0x3  }
0x33: {  	p0 =	seq.s32 s10, $0x1;
	s10 =	sld [smem:$0x3FBA];
	_ =	sdelay $0x3  }
0x34: {  	[smem:$0x3FBA] =	sst s10  }
0x35: {  	s10 =	sld [smem:$0x3FB9];
	_ =	sdelay $0x3  }
0x36: {  	p1 =	seq.s32 s10, $0x1;
	s10 =	sld [smem:$0x3FBA];
	_ =	sdelay $0x3  }
0x37: {  	[smem:$0x3FBA] =	sst s10  }
0x38: {  	s10 =	sld [smem:$0x3FBB]  }
0x39: {  	_ = 	snop;
	(pc) =	sbr.ind lr, $3  }
0x3a: {  	_ = 	snop  }
0x3b: {  	_ = 	snop  }
0x3c: {  	p2 =	seq.s32 s10, $0x1;
	s10 =	sld [smem:$0x3FBA]  }
0x3d: {  	_ =	shalt  }
0x3e: {  	_ =	shalt  }
0x3f: {  	_ =	shalt  }
0x40: {  	_ =	shalt  }
0x41: {  	_ =	shalt  }
0x42: {  	_ =	shalt  }
0x43: {  	_ =	shalt  }
0x44: {  	_ =	shalt  }
0x45: {  	_ =	shalt  }
0x46: {  	_ =	shalt  }
0x47: {  	_ =	shalt  }
0x48: {  	_ =	shalt  }
0x49: {  	_ =	shalt  }
0x4a: {  	_ =	shalt  }
0x4b: {  	_ =	shalt  }
0x4c: {  	_ =	shalt  }
0x4d: {  	_ =	shalt  }
0x4e: {  	_ =	shalt  }
0x4f: {  	_ =	shalt  }
0x50: {  	_ =	shalt  }
0x51: {  	_ =	shalt  }
0x52: {  	_ =	shalt  }
0x53: {  	_ =	shalt  }
0x54: {  	_ =	shalt  }
0x55: {  	_ =	shalt  }
0x56: {  	_ =	shalt  }
0x57: {  	_ =	shalt  }
0x58: {  	_ =	shalt  }
0x59: {  	_ =	shalt  }
0x5a: {  	_ =	shalt  }
0x5b: {  	_ =	shalt  }
0x5c: {  	_ =	shalt  }
0x5d: {  	_ =	shalt  }
0x5e: {  	_ =	shalt  }
0x5f: {  	_ =	shalt  }
0x60: {  	_ =	shalt  }
0x61: {  	_ =	shalt  }
0x62: {  	_ =	shalt  }
0x63: {  	_ =	shalt  }
0x64: {  	_ =	shalt  }
0x65: {  	_ =	shalt  }
0x66: {  	_ =	shalt  }
0x67: {  	_ =	shalt  }
0x68: {  	_ =	shalt  }
0x69: {  	_ =	shalt  }
0x6a: {  	_ =	shalt  }
0x6b: {  	_ =	shalt  }
0x6c: {  	_ =	shalt  }
0x6d: {  	_ =	shalt  }
0x6e: {  	_ =	shalt  }
0x6f: {  	_ =	shalt  }
0x70: {  	_ =	shalt  }
0x71: {  	_ =	shalt  }
0x72: {  	_ =	shalt  }
0x73: {  	_ =	shalt  }
0x74: {  	_ =	shalt  }
0x75: {  	_ =	shalt  }
0x76: {  	_ =	shalt  }
0x77: {  	_ =	shalt  }
0x78: {  	_ =	shalt  }
0x79: {  	_ =	shalt  }
0x7a: {  	_ =	shalt  }
0x7b: {  	_ =	shalt  }
0x7c: {  	_ =	shalt  }
0x7d: {  	_ =	shalt  }
0x7e: {  	_ =	shalt  }
0x7f: {  	_ =	shalt  }
0x80: {  	_ =	shalt  }
0x81: {  	_ =	shalt  }
0x82: {  	_ =	shalt  }
0x83: {  	_ =	shalt  }
0x84: {  	_ =	shalt  }
0x85: {  	_ =	shalt  }
0x86: {  	_ =	shalt  }
0x87: {  	_ =	shalt  }
.Lfunc_end0:
.L_simem_size_0:
called_computation_lowered:
.L_overlay_start_0:
0x88: {  	s2 =	sld [smem:$0x3FD9]  }
0x89: {  	s3 =	sld [smem:$0x3FFE];
	_ =	sdelay $0x1  }
0x8a: {  	s1 =	srdreg.scid  }
0x8b: {  	s0 =	sand.u32 $0x1, s1  }
0x8c: {  	s16 =	sshll.u32 s0, $0xA;
	s2 =	sadd.s32 s3, s2  }
0x8d: {  	s2 =	sadd.s32 s2, s16  }
0x8e: {  	[smem:$0x3FC6] =	sst s2  }
0x8f: {  	_ = 	snop  }
0x90: {  	(tm) =	ssettm $0x1  }
0x91: {  	s17 =	sld [smem:$0x3FFB];
	_ =	sdelay $0x3  }
0x92: {  	_ =	strace s17  }
0x93: {  	s2 =	sld [smem:$0x3FFC];
	_ =	sdelay $0x3  }
0x94: {  	_ =	strace s2  }
0x95: {  	s2 =	sld [smem:$0x3FFD];
	_ =	sdelay $0x3  }
0x96: {  	_ =	strace s2  }
0x97: {  	_ =	strace $0x8FFFFFFF  }
0x98: {  	s18 =	sld [smem:$0x3FDB];
	_ =	sdelay $0x1  }
0x99: {  	s19 =	simm.s32 $_scs_section_size  }
0x9a: {  	s4 =	simm.s32 $_size__tile_overlayer_lowered;
	s5 =	simm.s32 $_tile_overlayer_lowered  }
0x9b: {  	s22 =	simm.s32 $0x1BFF;
	s21 =	sshll.u32 s5, $0x1;
	s2 =	sadd.s32 s19, s18  }
0x9c: {  	s6 =	simm.s32 $0x0;
	s20 =	sshll.u32 s4, $0x1;
	s4 =	sadd.s32 s21, s2  }
0x9d: {  	[timem:s6], [sflag:s22] =	dma.local [hbm:s4], s20  }
0x9e: {  	_ =	swait.ge [sflag:s22], s20  }
0x9f: {  	s3 =	ssub.s32 $0x0, s20;
	[sflag:s22] =	ssyncset.done $0x0  }
0xa0: {  	[sflag:s22] =	ssyncadd.s32 s3;
	_ =	sdelay $0x1  }
0xa1: {  	s23 =	simm.s32 $0x1B8B  }
0xa2: {  	_ =	swait.ge [sflag:s23], $0x1  }
0xa3: {  	[sflag:s23] =	ssyncset.done $0x0  }
0xa4: {  	s25 =	simm.s32 $0x1B8E;
	s24 =	sld [smem:$0x3FFE];
	[sflag:s23] =	ssyncadd.s32 $0xFFFFFFFF  }
0xa5: {  	s26 =	simm.s32 $execute0_lowered;
	[smem:$0x3FD2] =	sst s25  }
0xa6: {  	s4 =	sshll.u32 s26, $0x1;
	_ =	strace $0x80000046;
	[dreg:$0x1] =	wrdreg $0xFFFFFFFF  }
0xa7: {  	s28 =	simm.s32 $_size_execute0_lowered;
	s2 =	sadd.s32 s2, s4;
	[dreg:$0x0] =	wrdreg $0x0  }
0xa8: {  	s4 =	sshll.u32 s28, $0x1;
	[dreg:$0x2] =	wrdreg s2  }
0xa9: {  	[dreg:$0x3] =	wrdreg s4  }
0xaa: {  	[dreg:$0x4] =	wrdreg $0xC0  }
0xab: {  	_ =	task [dreg:s6], $0x5FFFF  }
0xac: {  	[dreg:$0x1] =	wrdreg $0xFFFFFFFF  }
0xad: {  	[dreg:$0x0] =	wrdreg $0x60  }
0xae: {  	[dreg:$0x2] =	wrdreg s24  }
0xaf: {  	[dreg:$0x3] =	wrdreg $0x9  }
0xb0: {  	_ =	task.clear_ibuf [dreg:s6], $0x4FFFF;
	_ =	strace $0x90000046  }
0xb1: {  	s29 =	simm.s32 $0x9;
	_ =	strace $0x80000048  }
0xb2: {  	_ =	swait.ge [sflag:s29], $0x1  }
0xb3: {  	[sflag:s29] =	ssyncadd.s32 $0xFFFFFFFF  }
0xb4: {  	_ =	strace $0x90000048  }
0xb5: {  	_ =	sfence  }
0xb6: {  	s30 =	sld [smem:$0x0];
	_ =	sdelay $0x2  }
0xb7: {  	s31 =	sshll.u32 s1, $0xD;
	s1 =	sshrl.u32 s1, $0x2  }
0xb8: {  	s3 =	sand.u32 $0x4000, s31;
	s1 =	sadd.s32 s1, s30  }
0xb9: {  	s0 =	sor.u32 s3, s0;
	s1 =	sshll.u32 s1, $0x11  }
0xba: {  	s0 =	sor.u32 s1, s0  }
0xbb: {  	s0 =	sadd.s32 $0x8F2B, s0  }
0xbc: {  	[sflag:s0] =	ssyncadd.remote.s32 $0x1  }
0xbd: {  	_ =	sfence.sel $0xFFFF  }
0xbe: {  	[dreg:$0x0] =	wrdreg $0xFFFFFFFF;
	(pc) =	sbr.abs _section_cstart, $3  }
0xbf: {  	[dreg:$0x1] =	wrdreg $0xFFFFFFFF  }
0xc0: {  	_ =	task.clear_ibuf [dreg:s6], $0x2FFFF;
	_ =	strace $0x9FFFFFFF  }
0xc1: {  	(tm) =	ssettm $0x7FFFFFFF  }
tec
execute0_lowered:
.L_overlay_start_1:
0x0: {  	(tag) =	ssettag $0x1  }
0x1: {  	s1 =	srdreg.scid  }
0x2: {  	s0 =	stileid.u32;
	s14 =	sand.u32 $0x1, s1  }
0x3: {  	s8 =	rddreg [dreg:$0x0];
	s3 =	sshll.u32 s0, $0xC;
	s4 =	sshll.u32 s14, $0xB  }
0x4: {  	s2 =	simm.s32 $0x0;
	s1 =	rddreg [dreg:$0x1];
	s13 =	sor.u32 s4, s3  }
0x5: {  	[smem:$0x7FF] =	sst s2;
	s15 =	sadd.s32 $0x20C800, s8;
	s3 =	sshrl.u32 s13, $0x3  }
0x6: {  	_ =	strace $0x80000047;
	s4 =	sadd.s32 s15, s3;
	s3 =	simm.s32 $0x2  }
0x7: {  	[tilespmem:s2], [sflag:$0x2] =	stream.linear.gather [hbm4b:s4+s2], $0x200, $0x38;
	[tilespmem:$0x10200] =	vst v63  }
0x8: {  	_ =	swait.ge [sflag:s3], $0x200  }
0x9: {  	s6 =	simm.s32 $0x200;
	[sflag:s3] =	ssyncset.done $0x0  }
0xa: {  	s7 =	simm.s32 $0x1;
	s5 =	sadd.s32 $0x600, s8;
	[sflag:s3] =	ssyncadd.s32 $0xFFFFFE00  }
0xb: {  	[tilespmem:s6], [sflag:$0x1] =	stream.indirect.gather [hbm4b:s5+s6], $0x80, s2, s6, $0xb8;
	[tilespmem:$0x10200] =	vst v63  }
0xc: {  	_ =	swait.ge [sflag:s7], $0x10000  }
0xd: {  	s16 =	sadd.s32 $0x20E800, s8;
	s29 =	sshll.u32 s13, $0x4;
	[sflag:s7] =	ssyncset.done $0x0  }
0xe: {  	s8 =	sadd.s32 s16, s29;
	[sflag:s7] =	ssyncadd.s32 $0xFFFF0000  }
0xf: {  	[hbm4b:s8+s2] =	stream.linear.scatter [tilespmem:s6], [sflag:$0x2], $0x10000, $0x38;
	[tilespmem:$0x10200] =	vst v63  }
0x10: {  	s10 =	sor.u32 $0x200, s13;
	_ =	swait.ge [sflag:s3], $0x10000  }
0x11: {  	s9 =	sshrl.u32 s10, $0x3;
	[sflag:s3] =	ssyncset.done $0x0  }
0x12: {  	s9 =	sadd.s32 s15, s9;
	[sflag:s3] =	ssyncadd.s32 $0xFFFF0000  }
0x13: {  	[tilespmem:s2], [sflag:$0x2] =	stream.linear.gather [hbm4b:s9+s2], $0x200, $0x38;
	[tilespmem:$0x10200] =	vst v63  }
0x14: {  	_ =	swait.ge [sflag:s3], $0x200  }
0x15: {  	[sflag:s3] =	ssyncset.done $0x0  }
0x16: {  	[sflag:s3] =	ssyncadd.s32 $0xFFFFFE00  }
0x17: {  	[tilespmem:s6], [sflag:$0x1] =	stream.indirect.gather [hbm4b:s5+s6], $0x80, s2, s6, $0xb8;
	[tilespmem:$0x10200] =	vst v63  }
0x18: {  	_ =	swait.ge [sflag:s7], $0x10000  }
0x19: {  	s10 =	sshll.u32 s10, $0x4;
	[sflag:s7] =	ssyncset.done $0x0  }
0x1a: {  	s10 =	sadd.s32 s16, s10;
	[sflag:s7] =	ssyncadd.s32 $0xFFFF0000  }
0x1b: {  	[hbm4b:s10+s2] =	stream.linear.scatter [tilespmem:s6], [sflag:$0x2], $0x10000, $0x38;
	[tilespmem:$0x10200] =	vst v63  }
0x1c: {  	s12 =	sor.u32 $0x400, s13;
	_ =	swait.ge [sflag:s3], $0x10000  }
0x1d: {  	s11 =	sshrl.u32 s12, $0x3;
	[sflag:s3] =	ssyncset.done $0x0  }
0x1e: {  	s11 =	sadd.s32 s15, s11;
	[sflag:s3] =	ssyncadd.s32 $0xFFFF0000  }
0x1f: {  	[tilespmem:s2], [sflag:$0x2] =	stream.linear.gather [hbm4b:s11+s2], $0x200, $0x38;
	[tilespmem:$0x10200] =	vst v63  }
0x20: {  	_ =	swait.ge [sflag:s3], $0x200  }
0x21: {  	[sflag:s3] =	ssyncset.done $0x0  }
0x22: {  	[sflag:s3] =	ssyncadd.s32 $0xFFFFFE00  }
0x23: {  	[tilespmem:s6], [sflag:$0x1] =	stream.indirect.gather [hbm4b:s5+s6], $0x80, s2, s6, $0xb8;
	[tilespmem:$0x10200] =	vst v63  }
0x24: {  	_ =	swait.ge [sflag:s7], $0x10000  }
0x25: {  	s12 =	sshll.u32 s12, $0x4;
	[sflag:s7] =	ssyncset.done $0x0  }
0x26: {  	s12 =	sadd.s32 s16, s12;
	[sflag:s7] =	ssyncadd.s32 $0xFFFF0000  }
0x27: {  	[hbm4b:s12+s2] =	stream.linear.scatter [tilespmem:s6], [sflag:$0x2], $0x10000, $0x38;
	[tilespmem:$0x10200] =	vst v63  }
0x28: {  	s17 =	sor.u32 $0x600, s13;
	_ =	swait.ge [sflag:s3], $0x10000  }
0x29: {  	s13 =	sshrl.u32 s17, $0x3;
	[sflag:s3] =	ssyncset.done $0x0  }
0x2a: {  	s14 =	ssub.s32 $0x2, s14;
	s13 =	sadd.s32 s15, s13;
	[sflag:s3] =	ssyncadd.s32 $0xFFFF0000  }
0x2b: {  	[tilespmem:s2], [sflag:$0x2] =	stream.linear.gather [hbm4b:s13+s2], $0x200, $0x38;
	[tilespmem:$0x10200] =	vst v63  }
0x2c: {  	s30 =	sshrl.u32 s14, $0x1;
	_ =	swait.ge [sflag:s3], $0x200  }
0x2d: {  	s15 =	ssub.s32 s14, s30;
	[sflag:s3] =	ssyncset.done $0x0  }
0x2e: {  	s15 =	smax.u32 s15, $0x1;
	[sflag:s3] =	ssyncadd.s32 $0xFFFFFE00  }
0x2f: {  	[tilespmem:s6], [sflag:$0x1] =	stream.indirect.gather [hbm4b:s5+s6], $0x80, s2, s6, $0xb8;
	[tilespmem:$0x10200] =	vst v63  }
0x30: {  	p0 =	sne.s32 s15, $0x1;
	_ =	swait.ge [sflag:s7], $0x10000  }
.Ltmp0:
0x31: {  	s31 =	sshll.u32 s17, $0x4;
	[sflag:s7] =	ssyncset.done $0x0;
	(pc) =	sbr.rel @!p0 .LBB2_2-.Ltmp0, $4  }
0x32: {  	s14 =	sadd.s32 s16, s31;
	[sflag:s7] =	ssyncadd.s32 $0xFFFF0000  }
0x33: {  	[hbm4b:s14+s2] =	stream.linear.scatter [tilespmem:s6], [sflag:$0x2], $0x10000, $0x38;
	[tilespmem:$0x10200] =	vst v63  }
0x34: {  	_ =	swait.ge [sflag:s3], $0x10000  }
0x35: {  	s15 =	sadd.s32 $0xFFFFFFFF, s15;
	[sflag:s3] =	ssyncset.done $0x0  }
.LBB2_1:
0x36: {  	p0 =	sne.s32 s15, $0x1;
	s15 =	sadd.s32 $0xFFFFFFFF, s15;
	[sflag:s3] =	ssyncadd.s32 $0xFFFF0000  }
0x37: {  	[tilespmem:s2], [sflag:$0x2] =	stream.linear.gather [hbm4b:s4+s2], $0x200, $0x38;
	[tilespmem:$0x10200] =	vst v63  }
0x38: {  	_ =	swait.ge [sflag:s3], $0x200  }
0x39: {  	[sflag:s3] =	ssyncset.done $0x0  }
0x3a: {  	[sflag:s3] =	ssyncadd.s32 $0xFFFFFE00  }
0x3b: {  	[tilespmem:s6], [sflag:$0x1] =	stream.indirect.gather [hbm4b:s5+s6], $0x80, s2, s6, $0xb8;
	[tilespmem:$0x10200] =	vst v63  }
0x3c: {  	_ =	swait.ge [sflag:s7], $0x10000  }
0x3d: {  	[sflag:s7] =	ssyncset.done $0x0  }
0x3e: {  	[sflag:s7] =	ssyncadd.s32 $0xFFFF0000  }
0x3f: {  	[hbm4b:s8+s2] =	stream.linear.scatter [tilespmem:s6], [sflag:$0x2], $0x10000, $0x38;
	[tilespmem:$0x10200] =	vst v63  }
0x40: {  	_ =	swait.ge [sflag:s3], $0x10000  }
0x41: {  	[sflag:s3] =	ssyncset.done $0x0  }
0x42: {  	[sflag:s3] =	ssyncadd.s32 $0xFFFF0000  }
0x43: {  	[tilespmem:s2], [sflag:$0x2] =	stream.linear.gather [hbm4b:s9+s2], $0x200, $0x38;
	[tilespmem:$0x10200] =	vst v63  }
0x44: {  	_ =	swait.ge [sflag:s3], $0x200  }
0x45: {  	[sflag:s3] =	ssyncset.done $0x0  }
0x46: {  	[sflag:s3] =	ssyncadd.s32 $0xFFFFFE00  }
0x47: {  	[tilespmem:s6], [sflag:$0x1] =	stream.indirect.gather [hbm4b:s5+s6], $0x80, s2, s6, $0xb8;
	[tilespmem:$0x10200] =	vst v63  }
0x48: {  	_ =	swait.ge [sflag:s7], $0x10000  }
0x49: {  	[sflag:s7] =	ssyncset.done $0x0  }
0x4a: {  	[sflag:s7] =	ssyncadd.s32 $0xFFFF0000  }
0x4b: {  	[hbm4b:s10+s2] =	stream.linear.scatter [tilespmem:s6], [sflag:$0x2], $0x10000, $0x38;
	[tilespmem:$0x10200] =	vst v63  }
0x4c: {  	_ =	swait.ge [sflag:s3], $0x10000  }
0x4d: {  	[sflag:s3] =	ssyncset.done $0x0  }
0x4e: {  	[sflag:s3] =	ssyncadd.s32 $0xFFFF0000  }
0x4f: {  	[tilespmem:s2], [sflag:$0x2] =	stream.linear.gather [hbm4b:s11+s2], $0x200, $0x38;
	[tilespmem:$0x10200] =	vst v63  }
0x50: {  	_ =	swait.ge [sflag:s3], $0x200  }
0x51: {  	[sflag:s3] =	ssyncset.done $0x0  }
0x52: {  	[sflag:s3] =	ssyncadd.s32 $0xFFFFFE00  }
0x53: {  	[tilespmem:s6], [sflag:$0x1] =	stream.indirect.gather [hbm4b:s5+s6], $0x80, s2, s6, $0xb8;
	[tilespmem:$0x10200] =	vst v63  }
0x54: {  	_ =	swait.ge [sflag:s7], $0x10000  }
0x55: {  	[sflag:s7] =	ssyncset.done $0x0  }
0x56: {  	[sflag:s7] =	ssyncadd.s32 $0xFFFF0000  }
0x57: {  	[hbm4b:s12+s2] =	stream.linear.scatter [tilespmem:s6], [sflag:$0x2], $0x10000, $0x38;
	[tilespmem:$0x10200] =	vst v63  }
0x58: {  	_ =	swait.ge [sflag:s3], $0x10000  }
0x59: {  	[sflag:s3] =	ssyncset.done $0x0  }
0x5a: {  	[sflag:s3] =	ssyncadd.s32 $0xFFFF0000  }
0x5b: {  	[tilespmem:s2], [sflag:$0x2] =	stream.linear.gather [hbm4b:s13+s2], $0x200, $0x38;
	[tilespmem:$0x10200] =	vst v63  }
0x5c: {  	_ =	swait.ge [sflag:s3], $0x200  }
0x5d: {  	[sflag:s3] =	ssyncset.done $0x0  }
0x5e: {  	[sflag:s3] =	ssyncadd.s32 $0xFFFFFE00  }
0x5f: {  	[tilespmem:s6], [sflag:$0x1] =	stream.indirect.gather [hbm4b:s5+s6], $0x80, s2, s6, $0xb8;
	[tilespmem:$0x10200] =	vst v63  }
0x60: {  	_ =	swait.ge [sflag:s7], $0x10000  }
.Ltmp1:
0x61: {  	[sflag:s7] =	ssyncset.done $0x0;
	(pc) =	sbr.rel @p0 .LBB2_1-.Ltmp1, $4  }
0x62: {  	[sflag:s7] =	ssyncadd.s32 $0xFFFF0000  }
0x63: {  	[hbm4b:s14+s2] =	stream.linear.scatter [tilespmem:s6], [sflag:$0x2], $0x10000, $0x38;
	[tilespmem:$0x10200] =	vst v63  }
0x64: {  	_ =	swait.ge [sflag:s3], $0x10000  }
0x65: {  	[sflag:s3] =	ssyncset.done $0x0  }
.LBB2_2:
0x66: {  	[sflag:s3] =	ssyncadd.s32 $0xFFFF0000  }
0x67: {  	_ =	sfence.sel $0x180000  }
0x68: {  	[bflag:$0x0] =	sbarrier.arrive $0xFFFF  }
0x69: {  	p0 =	sne.s32 s0, $0x0;
	_ =	strace $0x90000047  }
0x6a: {  	s0 =	sadd.s32 @!p0 $0x100000, s1;
	[bflag:$0x2] =	sbarrier.arrive $0xFFFF  }
0x6b: {  	[sflag:s0] =	ssyncadd.tile.s32 @!p0 $0x1;
	_ =	shalt  }
.Lfunc_end2:
_tile_overlayer_lowered:
.L_overlay_start_2:
0x6c: {  	(tag) =	ssettag $0x2  }
0x6d: {  	s0 =	rddreg [dreg:$0x0];
	s2 =	stileid.u32  }
0x6e: {  	s1 =	rddreg [dreg:$0x1];
	p0 =	sne.s32 s2, $0x0  }
0x6f: {  	s3 =	rddreg [dreg:$0x2];
	[bflag:$0x3] =	sbarrier.arrive $0xFFFF;
	s2 =	simm.s32 @!p0 $0x1C02  }
0x70: {  	[timem:s3], [sflag:s2] =	dma.local @!p0 [hbm:s0], s1  }
0x71: {  	s0 =	simm.s32 @!p0 $0x2  }
0x72: {  	_ =	swait.ge @!p0 [sflag:s0], s1  }
0x73: {  	s1 =	ssub.s32 @!p0 $0x0, s1;
	[sflag:s0] =	ssyncset.done @!p0 $0x0  }
0x74: {  	[sflag:s0] =	ssyncadd.s32 @!p0 s1  }
0x75: {  	[bflag:$0x3] =	sbarrier.arrive $0xFFFF  }
0x76: {  	_ =	shalt  }

</sc_bundles>
